<compile_context>
chip_gen: v7x
topology: tpu7x:2x2x1
jax: 0.10.2.dev20260603
libtpu: 0.0.44.dev20260713+nightly
codegen_flags: <defaults>
</compile_context>

<pallas_src>
import functools

import jax
import jax.numpy as jnp
from jax import lax
from jax.experimental import pallas as pl
from jax.experimental.pallas import tpu as pltpu
from jax.experimental.pallas import tpu_sc as plsc

_NUM_CODES = 1024
_LATENT_DIM = 12
_CHANNEL_DIM = 64
_ROWS_PER_BLOCK = 256


def _encode_body(x_ref, caug_ref, csplit_ref, soft_ref, idx_ref, gidx_ref,
                 cn2_ref):
    @pl.when(pl.program_id(0) == 0)
    def _():
        for l in range(_LATENT_DIM):
            c = caug_ref[l, :, :_CHANNEL_DIM]
            cn2_ref[l, :] = jnp.sum(c * c, axis=1)

    idx_cols = []
    gidx_cols = []
    for l in range(_LATENT_DIM):
        x = x_ref[:, l * _CHANNEL_DIM:(l + 1) * _CHANNEL_DIM]
        caug = caug_ref[l]
        xn2 = jnp.sum(x * x, axis=1, keepdims=True)
        cn2 = cn2_ref[l, :][None, :]
        x2 = x + x
        xh = x2.astype(jnp.bfloat16)
        r1 = x2 - xh.astype(jnp.float32)
        xm = r1.astype(jnp.bfloat16)
        xl = (r1 - xm.astype(jnp.float32)).astype(jnp.bfloat16)
        xs = jnp.concatenate([xh, xh, xm, xh, xm, xl, xm, xl],
                             axis=1)
        xc2 = lax.dot_general(
            xs, csplit_ref[l], (((1,), (1,)), ((), ())),
            preferred_element_type=jnp.float32)
        d2 = xn2 + cn2 - xc2
        d = jnp.sqrt(jnp.maximum(d2, 0.0))
        e = jnp.exp(-d)
        out = lax.dot_general(
            e, caug, (((1,), (0,)), ((), ())),
            preferred_element_type=jnp.float32)
        s = out[:, _CHANNEL_DIM:_CHANNEL_DIM + 1]
        soft_ref[:, l * _CHANNEL_DIM:(l + 1) * _CHANNEL_DIM] = (
            out[:, :_CHANNEL_DIM] * (1.0 / s))
        idx = jnp.argmin(d2, axis=1)
        idx_cols.append(idx[:, None])
        gidx_cols.append((idx + l * _NUM_CODES)[:, None])
    idx_ref[...] = jnp.concatenate(idx_cols, axis=1)
    gidx_ref[...] = jnp.concatenate(gidx_cols, axis=1)


def _encode(x, codes_aug, codes_split):
    rows = x.shape[0]
    r = _ROWS_PER_BLOCK
    grid = (rows // r,)
    aug = codes_aug.shape[-1]
    ksplit = codes_split.shape[-1]
    return pl.pallas_call(
        _encode_body,
        grid=grid,
        in_specs=[
            pl.BlockSpec((r, _LATENT_DIM * _CHANNEL_DIM), lambda i: (i, 0)),
            pl.BlockSpec((_LATENT_DIM, _NUM_CODES, aug),
                         lambda i: (0, 0, 0)),
            pl.BlockSpec((_LATENT_DIM, _NUM_CODES, ksplit),
                         lambda i: (0, 0, 0)),
        ],
        scratch_shapes=[pltpu.VMEM((_LATENT_DIM, _NUM_CODES), jnp.float32)],
        out_specs=[
            pl.BlockSpec((r, _LATENT_DIM * _CHANNEL_DIM), lambda i: (i, 0)),
            pl.BlockSpec((r, _LATENT_DIM), lambda i: (i, 0)),
            pl.BlockSpec((r, _LATENT_DIM), lambda i: (i, 0)),
        ],
        out_shape=[
            jax.ShapeDtypeStruct((rows, _LATENT_DIM * _CHANNEL_DIM),
                                 jnp.float32),
            jax.ShapeDtypeStruct((rows, _LATENT_DIM), jnp.int32),
            jax.ShapeDtypeStruct((rows, _LATENT_DIM), jnp.int32),
        ],
    )(x, codes_aug, codes_split)


_GATHER_CHUNK = 108


def _gather_hard(codes_flat, gidx_rows, total_rows):
    info = plsc.get_sparse_core_info()
    nw = info.num_cores * info.num_subcores
    chunks_total = gidx_rows.shape[0]
    chunks_per_w = chunks_total // nw
    rows_per_w = chunks_per_w * _GATHER_CHUNK

    mesh = plsc.VectorSubcoreMesh(core_axis_name="c", subcore_axis_name="s")

    @functools.partial(
        pl.kernel,
        mesh=mesh,
        out_type=jax.ShapeDtypeStruct((total_rows, _CHANNEL_DIM),
                                      jnp.float32),
        scratch_types=[
            pltpu.VMEM((chunks_per_w, _GATHER_CHUNK), jnp.int32),
            pltpu.VMEM((rows_per_w, _CHANNEL_DIM), jnp.float32),
            pltpu.SemaphoreType.DMA,
        ],
        compiler_params=pltpu.CompilerParams(use_tc_tiling_on_sc=False),
    )
    def k(table_hbm, idx_hbm, out_hbm, idx_v, rows_v, sem):
        wid = lax.axis_index("s") * info.num_cores + lax.axis_index("c")
        pltpu.sync_copy(idx_hbm.at[pl.ds(wid * chunks_per_w, chunks_per_w)],
                        idx_v)
        copies = []
        for j in range(chunks_per_w):
            copies.append(pltpu.async_copy(
                table_hbm.at[idx_v.at[j]],
                rows_v.at[pl.ds(j * _GATHER_CHUNK, _GATHER_CHUNK)],
                sem))
        for cp in copies:
            cp.wait()
        pltpu.sync_copy(rows_v, out_hbm.at[pl.ds(wid * rows_per_w,
                                                 rows_per_w)])

    return k(codes_flat, gidx_rows)


def kernel(z, codes):
    batch, channels, width, height = z.shape
    rows = batch * width * height
    x = jnp.transpose(z, (0, 2, 3, 1)).reshape(rows, channels)
    codes_aug = jnp.concatenate(
        [codes, jnp.ones((_LATENT_DIM, _NUM_CODES, 1), jnp.float32),
         jnp.zeros((_LATENT_DIM, _NUM_CODES, 7), jnp.float32)],
        axis=2)
    ch = codes.astype(jnp.bfloat16)
    r1 = codes - ch.astype(jnp.float32)
    cm = r1.astype(jnp.bfloat16)
    cl = (r1 - cm.astype(jnp.float32)).astype(jnp.bfloat16)
    codes_split = jnp.concatenate([ch, cm, ch, cl, cm, ch, cl, cm], axis=2)
    soft, idx, gidx = _encode(x, codes_aug, codes_split)
    codes_flat = codes.reshape(_LATENT_DIM * _NUM_CODES, _CHANNEL_DIM)
    gidx_rows = gidx.reshape(-1, _GATHER_CHUNK)
    hard_flat = _gather_hard(codes_flat, gidx_rows, rows * _LATENT_DIM)
    soft_out = soft.reshape(batch, width, height, channels)
    hard_out = hard_flat.reshape(batch, width, height, channels)
    idx_out = idx.reshape(batch, width, height, _LATENT_DIM)
    return soft_out, hard_out, idx_out

# --- scband reference (transcript-rebuilt; emitter-appended) ---
"""Pipeline reference for scband-soft-to-hard-nd-encoder-14267881357913 (READ-ONLY COPY).

The authoritative reference and input builder live on the scoring server;
editing this copy changes nothing except your own understanding.
"""

import jax, jax.numpy as jnp
import numpy as np

NUM_CODES = 1024
LATENT_DIM = 12
CHANNEL_DIM = 64


def setup_inputs(seed: int = 0) -> dict:
    key = jax.random.key(seed)
    k1, k2 = jax.random.split(key)
    z = jax.random.normal(k1, (8, 768, 24, 24), dtype=jnp.float32)
    codes = jax.random.normal(k2, (LATENT_DIM, NUM_CODES, CHANNEL_DIM), dtype=jnp.float32)
    return {"z": z, "codes": codes}


def reference(z, codes):
    h = jnp.transpose(z, (0, 2, 3, 1))  # [B, W, H, C]
    batch, width, height, channels = h.shape
    latent_dim = channels // CHANNEL_DIM
    h = h.reshape(batch, width, height, latent_dim, CHANNEL_DIM)
    W = codes[None, None, None]  # [1,1,1,L,K,D]
    expanded = h[:, :, :, :, None, :]  # [B,W,H,L,1,D]
    diff = expanded - W  # [B,W,H,L,K,D]
    distances = jnp.linalg.norm(diff, ord=2, axis=5)  # [B,W,H,L,K]
    # Softmin(dim=4) == softmax(-distances, axis=4)
    symbol_probs = jax.nn.softmax(-distances, axis=4)  # [B,W,H,L,K]
    soft_symbols = jnp.sum(symbol_probs[..., None] * W, axis=4)  # [B,W,H,L,D]
    idxes = jnp.argmin(distances, axis=4)  # [B,W,H,L]
    offsets = jnp.arange(0, latent_dim * NUM_CODES, NUM_CODES, dtype=jnp.int64).reshape(1, 1, 1, latent_dim)
    flat_indexes = (idxes + offsets).reshape(-1)
    flat_symbols = codes.reshape(-1, CHANNEL_DIM)
    hard_symbols_flat = jnp.take(flat_symbols, flat_indexes, axis=0)
    hard_symbols = hard_symbols_flat.reshape(batch, width, height, channels)
    return (soft_symbols.reshape(batch, width, height, channels), hard_symbols, idxes)

if __name__ == "__main__":
    import jax
    _d = setup_inputs()
    print(jax.jit(kernel)(*tuple(_d.values())))

</pallas_src>

<mosaic_0001>
#map = affine_map<(d0, d1) -> (0, 0)>
module attributes {stable_mosaic.version = 14 : i64} {
  func.func @k(%arg0: i32, %arg1: i32, %arg2: memref<12288x64xf32, #tpu.memory_space<hbm>>, %arg3: memref<512x108xi32, #tpu.memory_space<hbm>>, %arg4: memref<55296x64xf32, #tpu.memory_space<hbm>>, %arg5: memref<16x108xi32, #tpu.memory_space<vmem>>, %arg6: memref<1728x64xf32, #tpu.memory_space<vmem>>, %arg7: memref<!tpu.dma_semaphore, #tpu.memory_space<semaphore_mem>>) attributes {dimension_semantics = [#tpu.dimension_semantics<core_parallel>, #tpu.dimension_semantics<subcore_parallel>], iteration_bounds = array<i64: 2, 16>, scalar_prefetch = 0 : i64, scratch_operands = 3 : i64, tpu.core_type = #tpu.core_type<sc_vector_subcore>, window_params = [{transform_indices = #map}, {transform_indices = #map}, {transform_indices = #map}]} {
    %mul3A = arith.constant 2 : i32
    %mul3A_0 = arith.muli %arg1, %mul3A : i32
    %add3A = arith.addi %mul3A_0, %arg0 : i32
    %mul3A_1 = arith.constant 16 : i32
    %mul3A_2 = arith.muli %add3A, %mul3A_1 : i32
    "tpu.region"() ({
      %run_scoped3A = tpu.sem_alloc : memref<!tpu.dma_semaphore, #tpu.memory_space<semaphore_mem>>
      %dma_start3A_323 = arith.constant 0 : i32
      %dma_start3A_324 = tpu.memref_slice %arg3[%mul3A_2, %dma_start3A_323] : memref<512x108xi32, #tpu.memory_space<hbm>> -> memref<16x108xi32, #tpu.memory_space<hbm>>
      %dma_start3A_325 = arith.constant 0 : i32
      %dma_start3A_326 = tpu.memref_slice %arg3[%mul3A_2, %dma_start3A_325] : memref<512x108xi32, #tpu.memory_space<hbm>> -> memref<16x108xi32, #tpu.memory_space<hbm>>
      tpu.enqueue_dma source(%dma_start3A_326 : memref<16x108xi32, #tpu.memory_space<hbm>>) target(%arg5 : memref<16x108xi32, #tpu.memory_space<vmem>>) target_semaphore(%run_scoped3A : memref<!tpu.dma_semaphore, #tpu.memory_space<semaphore_mem>>)
      %dma_wait3A_327 = arith.constant 0 : i32
      %dma_wait3A_328 = tpu.memref_slice %arg3[%mul3A_2, %dma_wait3A_327] : memref<512x108xi32, #tpu.memory_space<hbm>> -> memref<16x108xi32, #tpu.memory_space<hbm>>
      %dma_wait3A_329 = arith.constant 0 : i32
      %dma_wait3A_330 = tpu.memref_slice %arg3[%mul3A_2, %dma_wait3A_329] : memref<512x108xi32, #tpu.memory_space<hbm>> -> memref<16x108xi32, #tpu.memory_space<hbm>>
      tpu.wait_dma2 semaphore(%run_scoped3A : memref<!tpu.dma_semaphore, #tpu.memory_space<semaphore_mem>>) src(%dma_wait3A_330 : memref<16x108xi32, #tpu.memory_space<hbm>>) dst(%arg5 : memref<16x108xi32, #tpu.memory_space<vmem>>)
      tpu.yield
    }) : () -> ()
    %dma_start3A = arith.constant 0 : i32
    %dma_start3A_3 = arith.constant 0 : i32
    %dma_start3A_4 = arith.constant 0 : i32
    %dma_start3A_5 = tpu.memref_slice %arg6[%dma_start3A_3, %dma_start3A_4] : memref<1728x64xf32, #tpu.memory_space<vmem>> -> memref<108x64xf32, #tpu.memory_space<vmem>>
    %dma_start3A_6 = arith.constant 0 : i32
    %dma_start3A_7 = tpu.memref_slice %arg5[%dma_start3A, %dma_start3A_6] : memref<16x108xi32, #tpu.memory_space<vmem>> -> memref<1x108xi32, #tpu.memory_space<vmem>>
    %dma_start3A_8 = tpu.memref_squeeze %dma_start3A_7 : memref<1x108xi32, #tpu.memory_space<vmem>> -> memref<108xi32, #tpu.memory_space<vmem>>
    %dma_start3A_9 = arith.constant 0 : i32
    %dma_start3A_10 = arith.constant 0 : i32
    %dma_start3A_11 = tpu.memref_slice %arg2[%dma_start3A_9, %dma_start3A_10] : memref<12288x64xf32, #tpu.memory_space<hbm>> -> memref<12288x64xf32, #tpu.memory_space<hbm>>
    tpu.enqueue_indirect_dma source(%dma_start3A_11 : memref<12288x64xf32, #tpu.memory_space<hbm>>) target(%dma_start3A_5 : memref<108x64xf32, #tpu.memory_space<vmem>>) offsets(%dma_start3A_8 : memref<108xi32, #tpu.memory_space<vmem>>) semaphore(%arg7 : memref<!tpu.dma_semaphore, #tpu.memory_space<semaphore_mem>>)
    %dma_start3A_12 = arith.constant 1 : i32
    %dma_start3A_13 = arith.constant 108 : i32
    %dma_start3A_14 = arith.constant 0 : i32
    %dma_start3A_15 = tpu.memref_slice %arg6[%dma_start3A_13, %dma_start3A_14] : memref<1728x64xf32, #tpu.memory_space<vmem>> -> memref<108x64xf32, #tpu.memory_space<vmem>>
    %dma_start3A_16 = arith.constant 0 : i32
    %dma_start3A_17 = tpu.memref_slice %arg5[%dma_start3A_12, %dma_start3A_16] : memref<16x108xi32, #tpu.memory_space<vmem>> -> memref<1x108xi32, #tpu.memory_space<vmem>>
    %dma_start3A_18 = tpu.memref_squeeze %dma_start3A_17 : memref<1x108xi32, #tpu.memory_space<vmem>> -> memref<108xi32, #tpu.memory_space<vmem>>
    %dma_start3A_19 = arith.constant 0 : i32
    %dma_start3A_20 = arith.constant 0 : i32
    %dma_start3A_21 = tpu.memref_slice %arg2[%dma_start3A_19, %dma_start3A_20] : memref<12288x64xf32, #tpu.memory_space<hbm>> -> memref<12288x64xf32, #tpu.memory_space<hbm>>
    tpu.enqueue_indirect_dma source(%dma_start3A_21 : memref<12288x64xf32, #tpu.memory_space<hbm>>) target(%dma_start3A_15 : memref<108x64xf32, #tpu.memory_space<vmem>>) offsets(%dma_start3A_18 : memref<108xi32, #tpu.memory_space<vmem>>) semaphore(%arg7 : memref<!tpu.dma_semaphore, #tpu.memory_space<semaphore_mem>>)
    %dma_start3A_22 = arith.constant 2 : i32
    %dma_start3A_23 = arith.constant 216 : i32
    %dma_start3A_24 = arith.constant 0 : i32
    %dma_start3A_25 = tpu.memref_slice %arg6[%dma_start3A_23, %dma_start3A_24] : memref<1728x64xf32, #tpu.memory_space<vmem>> -> memref<108x64xf32, #tpu.memory_space<vmem>>
    %dma_start3A_26 = arith.constant 0 : i32
    %dma_start3A_27 = tpu.memref_slice %arg5[%dma_start3A_22, %dma_start3A_26] : memref<16x108xi32, #tpu.memory_space<vmem>> -> memref<1x108xi32, #tpu.memory_space<vmem>>
    %dma_start3A_28 = tpu.memref_squeeze %dma_start3A_27 : memref<1x108xi32, #tpu.memory_space<vmem>> -> memref<108xi32, #tpu.memory_space<vmem>>
    %dma_start3A_29 = arith.constant 0 : i32
    %dma_start3A_30 = arith.constant 0 : i32
    %dma_start3A_31 = tpu.memref_slice %arg2[%dma_start3A_29, %dma_start3A_30] : memref<12288x64xf32, #tpu.memory_space<hbm>> -> memref<12288x64xf32, #tpu.memory_space<hbm>>
    tpu.enqueue_indirect_dma source(%dma_start3A_31 : memref<12288x64xf32, #tpu.memory_space<hbm>>) target(%dma_start3A_25 : memref<108x64xf32, #tpu.memory_space<vmem>>) offsets(%dma_start3A_28 : memref<108xi32, #tpu.memory_space<vmem>>) semaphore(%arg7 : memref<!tpu.dma_semaphore, #tpu.memory_space<semaphore_mem>>)
    %dma_start3A_32 = arith.constant 3 : i32
    %dma_start3A_33 = arith.constant 324 : i32
    %dma_start3A_34 = arith.constant 0 : i32
    %dma_start3A_35 = tpu.memref_slice %arg6[%dma_start3A_33, %dma_start3A_34] : memref<1728x64xf32, #tpu.memory_space<vmem>> -> memref<108x64xf32, #tpu.memory_space<vmem>>
    %dma_start3A_36 = arith.constant 0 : i32
    %dma_start3A_37 = tpu.memref_slice %arg5[%dma_start3A_32, %dma_start3A_36] : memref<16x108xi32, #tpu.memory_space<vmem>> -> memref<1x108xi32, #tpu.memory_space<vmem>>
    %dma_start3A_38 = tpu.memref_squeeze %dma_start3A_37 : memref<1x108xi32, #tpu.memory_space<vmem>> -> memref<108xi32, #tpu.memory_space<vmem>>
    %dma_start3A_39 = arith.constant 0 : i32
    %dma_start3A_40 = arith.constant 0 : i32
    %dma_start3A_41 = tpu.memref_slice %arg2[%dma_start3A_39, %dma_start3A_40] : memref<12288x64xf32, #tpu.memory_space<hbm>> -> memref<12288x64xf32, #tpu.memory_space<hbm>>
    tpu.enqueue_indirect_dma source(%dma_start3A_41 : memref<12288x64xf32, #tpu.memory_space<hbm>>) target(%dma_start3A_35 : memref<108x64xf32, #tpu.memory_space<vmem>>) offsets(%dma_start3A_38 : memref<108xi32, #tpu.memory_space<vmem>>) semaphore(%arg7 : memref<!tpu.dma_semaphore, #tpu.memory_space<semaphore_mem>>)
    %dma_start3A_42 = arith.constant 4 : i32
    %dma_start3A_43 = arith.constant 432 : i32
    %dma_start3A_44 = arith.constant 0 : i32
    %dma_start3A_45 = tpu.memref_slice %arg6[%dma_start3A_43, %dma_start3A_44] : memref<1728x64xf32, #tpu.memory_space<vmem>> -> memref<108x64xf32, #tpu.memory_space<vmem>>
    %dma_start3A_46 = arith.constant 0 : i32
    %dma_start3A_47 = tpu.memref_slice %arg5[%dma_start3A_42, %dma_start3A_46] : memref<16x108xi32, #tpu.memory_space<vmem>> -> memref<1x108xi32, #tpu.memory_space<vmem>>
    %dma_start3A_48 = tpu.memref_squeeze %dma_start3A_47 : memref<1x108xi32, #tpu.memory_space<vmem>> -> memref<108xi32, #tpu.memory_space<vmem>>
    %dma_start3A_49 = arith.constant 0 : i32
    %dma_start3A_50 = arith.constant 0 : i32
    %dma_start3A_51 = tpu.memref_slice %arg2[%dma_start3A_49, %dma_start3A_50] : memref<12288x64xf32, #tpu.memory_space<hbm>> -> memref<12288x64xf32, #tpu.memory_space<hbm>>
    tpu.enqueue_indirect_dma source(%dma_start3A_51 : memref<12288x64xf32, #tpu.memory_space<hbm>>) target(%dma_start3A_45 : memref<108x64xf32, #tpu.memory_space<vmem>>) offsets(%dma_start3A_48 : memref<108xi32, #tpu.memory_space<vmem>>) semaphore(%arg7 : memref<!tpu.dma_semaphore, #tpu.memory_space<semaphore_mem>>)
    %dma_start3A_52 = arith.constant 5 : i32
    %dma_start3A_53 = arith.constant 540 : i32
    %dma_start3A_54 = arith.constant 0 : i32
    %dma_start3A_55 = tpu.memref_slice %arg6[%dma_start3A_53, %dma_start3A_54] : memref<1728x64xf32, #tpu.memory_space<vmem>> -> memref<108x64xf32, #tpu.memory_space<vmem>>
    %dma_start3A_56 = arith.constant 0 : i32
    %dma_start3A_57 = tpu.memref_slice %arg5[%dma_start3A_52, %dma_start3A_56] : memref<16x108xi32, #tpu.memory_space<vmem>> -> memref<1x108xi32, #tpu.memory_space<vmem>>
    %dma_start3A_58 = tpu.memref_squeeze %dma_start3A_57 : memref<1x108xi32, #tpu.memory_space<vmem>> -> memref<108xi32, #tpu.memory_space<vmem>>
    %dma_start3A_59 = arith.constant 0 : i32
    %dma_start3A_60 = arith.constant 0 : i32
    %dma_start3A_61 = tpu.memref_slice %arg2[%dma_start3A_59, %dma_start3A_60] : memref<12288x64xf32, #tpu.memory_space<hbm>> -> memref<12288x64xf32, #tpu.memory_space<hbm>>
    tpu.enqueue_indirect_dma source(%dma_start3A_61 : memref<12288x64xf32, #tpu.memory_space<hbm>>) target(%dma_start3A_55 : memref<108x64xf32, #tpu.memory_space<vmem>>) offsets(%dma_start3A_58 : memref<108xi32, #tpu.memory_space<vmem>>) semaphore(%arg7 : memref<!tpu.dma_semaphore, #tpu.memory_space<semaphore_mem>>)
    %dma_start3A_62 = arith.constant 6 : i32
    %dma_start3A_63 = arith.constant 648 : i32
    %dma_start3A_64 = arith.constant 0 : i32
    %dma_start3A_65 = tpu.memref_slice %arg6[%dma_start3A_63, %dma_start3A_64] : memref<1728x64xf32, #tpu.memory_space<vmem>> -> memref<108x64xf32, #tpu.memory_space<vmem>>
    %dma_start3A_66 = arith.constant 0 : i32
    %dma_start3A_67 = tpu.memref_slice %arg5[%dma_start3A_62, %dma_start3A_66] : memref<16x108xi32, #tpu.memory_space<vmem>> -> memref<1x108xi32, #tpu.memory_space<vmem>>
    %dma_start3A_68 = tpu.memref_squeeze %dma_start3A_67 : memref<1x108xi32, #tpu.memory_space<vmem>> -> memref<108xi32, #tpu.memory_space<vmem>>
    %dma_start3A_69 = arith.constant 0 : i32
    %dma_start3A_70 = arith.constant 0 : i32
    %dma_start3A_71 = tpu.memref_slice %arg2[%dma_start3A_69, %dma_start3A_70] : memref<12288x64xf32, #tpu.memory_space<hbm>> -> memref<12288x64xf32, #tpu.memory_space<hbm>>
    tpu.enqueue_indirect_dma source(%dma_start3A_71 : memref<12288x64xf32, #tpu.memory_space<hbm>>) target(%dma_start3A_65 : memref<108x64xf32, #tpu.memory_space<vmem>>) offsets(%dma_start3A_68 : memref<108xi32, #tpu.memory_space<vmem>>) semaphore(%arg7 : memref<!tpu.dma_semaphore, #tpu.memory_space<semaphore_mem>>)
    %dma_start3A_72 = arith.constant 7 : i32
    %dma_start3A_73 = arith.constant 756 : i32
    %dma_start3A_74 = arith.constant 0 : i32
    %dma_start3A_75 = tpu.memref_slice %arg6[%dma_start3A_73, %dma_start3A_74] : memref<1728x64xf32, #tpu.memory_space<vmem>> -> memref<108x64xf32, #tpu.memory_space<vmem>>
    %dma_start3A_76 = arith.constant 0 : i32
    %dma_start3A_77 = tpu.memref_slice %arg5[%dma_start3A_72, %dma_start3A_76] : memref<16x108xi32, #tpu.memory_space<vmem>> -> memref<1x108xi32, #tpu.memory_space<vmem>>
    %dma_start3A_78 = tpu.memref_squeeze %dma_start3A_77 : memref<1x108xi32, #tpu.memory_space<vmem>> -> memref<108xi32, #tpu.memory_space<vmem>>
    %dma_start3A_79 = arith.constant 0 : i32
    %dma_start3A_80 = arith.constant 0 : i32
    %dma_start3A_81 = tpu.memref_slice %arg2[%dma_start3A_79, %dma_start3A_80] : memref<12288x64xf32, #tpu.memory_space<hbm>> -> memref<12288x64xf32, #tpu.memory_space<hbm>>
    tpu.enqueue_indirect_dma source(%dma_start3A_81 : memref<12288x64xf32, #tpu.memory_space<hbm>>) target(%dma_start3A_75 : memref<108x64xf32, #tpu.memory_space<vmem>>) offsets(%dma_start3A_78 : memref<108xi32, #tpu.memory_space<vmem>>) semaphore(%arg7 : memref<!tpu.dma_semaphore, #tpu.memory_space<semaphore_mem>>)
    %dma_start3A_82 = arith.constant 8 : i32
    %dma_start3A_83 = arith.constant 864 : i32
    %dma_start3A_84 = arith.constant 0 : i32
    %dma_start3A_85 = tpu.memref_slice %arg6[%dma_start3A_83, %dma_start3A_84] : memref<1728x64xf32, #tpu.memory_space<vmem>> -> memref<108x64xf32, #tpu.memory_space<vmem>>
    %dma_start3A_86 = arith.constant 0 : i32
    %dma_start3A_87 = tpu.memref_slice %arg5[%dma_start3A_82, %dma_start3A_86] : memref<16x108xi32, #tpu.memory_space<vmem>> -> memref<1x108xi32, #tpu.memory_space<vmem>>
    %dma_start3A_88 = tpu.memref_squeeze %dma_start3A_87 : memref<1x108xi32, #tpu.memory_space<vmem>> -> memref<108xi32, #tpu.memory_space<vmem>>
    %dma_start3A_89 = arith.constant 0 : i32
    %dma_start3A_90 = arith.constant 0 : i32
    %dma_start3A_91 = tpu.memref_slice %arg2[%dma_start3A_89, %dma_start3A_90] : memref<12288x64xf32, #tpu.memory_space<hbm>> -> memref<12288x64xf32, #tpu.memory_space<hbm>>
    tpu.enqueue_indirect_dma source(%dma_start3A_91 : memref<12288x64xf32, #tpu.memory_space<hbm>>) target(%dma_start3A_85 : memref<108x64xf32, #tpu.memory_space<vmem>>) offsets(%dma_start3A_88 : memref<108xi32, #tpu.memory_space<vmem>>) semaphore(%arg7 : memref<!tpu.dma_semaphore, #tpu.memory_space<semaphore_mem>>)
    %dma_start3A_92 = arith.constant 9 : i32
    %dma_start3A_93 = arith.constant 972 : i32
    %dma_start3A_94 = arith.constant 0 : i32
    %dma_start3A_95 = tpu.memref_slice %arg6[%dma_start3A_93, %dma_start3A_94] : memref<1728x64xf32, #tpu.memory_space<vmem>> -> memref<108x64xf32, #tpu.memory_space<vmem>>
    %dma_start3A_96 = arith.constant 0 : i32
    %dma_start3A_97 = tpu.memref_slice %arg5[%dma_start3A_92, %dma_start3A_96] : memref<16x108xi32, #tpu.memory_space<vmem>> -> memref<1x108xi32, #tpu.memory_space<vmem>>
    %dma_start3A_98 = tpu.memref_squeeze %dma_start3A_97 : memref<1x108xi32, #tpu.memory_space<vmem>> -> memref<108xi32, #tpu.memory_space<vmem>>
    %dma_start3A_99 = arith.constant 0 : i32
    %dma_start3A_100 = arith.constant 0 : i32
    %dma_start3A_101 = tpu.memref_slice %arg2[%dma_start3A_99, %dma_start3A_100] : memref<12288x64xf32, #tpu.memory_space<hbm>> -> memref<12288x64xf32, #tpu.memory_space<hbm>>
    tpu.enqueue_indirect_dma source(%dma_start3A_101 : memref<12288x64xf32, #tpu.memory_space<hbm>>) target(%dma_start3A_95 : memref<108x64xf32, #tpu.memory_space<vmem>>) offsets(%dma_start3A_98 : memref<108xi32, #tpu.memory_space<vmem>>) semaphore(%arg7 : memref<!tpu.dma_semaphore, #tpu.memory_space<semaphore_mem>>)
    %dma_start3A_102 = arith.constant 10 : i32
    %dma_start3A_103 = arith.constant 1080 : i32
    %dma_start3A_104 = arith.constant 0 : i32
    %dma_start3A_105 = tpu.memref_slice %arg6[%dma_start3A_103, %dma_start3A_104] : memref<1728x64xf32, #tpu.memory_space<vmem>> -> memref<108x64xf32, #tpu.memory_space<vmem>>
    %dma_start3A_106 = arith.constant 0 : i32
    %dma_start3A_107 = tpu.memref_slice %arg5[%dma_start3A_102, %dma_start3A_106] : memref<16x108xi32, #tpu.memory_space<vmem>> -> memref<1x108xi32, #tpu.memory_space<vmem>>
    %dma_start3A_108 = tpu.memref_squeeze %dma_start3A_107 : memref<1x108xi32, #tpu.memory_space<vmem>> -> memref<108xi32, #tpu.memory_space<vmem>>
    %dma_start3A_109 = arith.constant 0 : i32
    %dma_start3A_110 = arith.constant 0 : i32
    %dma_start3A_111 = tpu.memref_slice %arg2[%dma_start3A_109, %dma_start3A_110] : memref<12288x64xf32, #tpu.memory_space<hbm>> -> memref<12288x64xf32, #tpu.memory_space<hbm>>
    tpu.enqueue_indirect_dma source(%dma_start3A_111 : memref<12288x64xf32, #tpu.memory_space<hbm>>) target(%dma_start3A_105 : memref<108x64xf32, #tpu.memory_space<vmem>>) offsets(%dma_start3A_108 : memref<108xi32, #tpu.memory_space<vmem>>) semaphore(%arg7 : memref<!tpu.dma_semaphore, #tpu.memory_space<semaphore_mem>>)
    %dma_start3A_112 = arith.constant 11 : i32
    %dma_start3A_113 = arith.constant 1188 : i32
    %dma_start3A_114 = arith.constant 0 : i32
    %dma_start3A_115 = tpu.memref_slice %arg6[%dma_start3A_113, %dma_start3A_114] : memref<1728x64xf32, #tpu.memory_space<vmem>> -> memref<108x64xf32, #tpu.memory_space<vmem>>
    %dma_start3A_116 = arith.constant 0 : i32
    %dma_start3A_117 = tpu.memref_slice %arg5[%dma_start3A_112, %dma_start3A_116] : memref<16x108xi32, #tpu.memory_space<vmem>> -> memref<1x108xi32, #tpu.memory_space<vmem>>
    %dma_start3A_118 = tpu.memref_squeeze %dma_start3A_117 : memref<1x108xi32, #tpu.memory_space<vmem>> -> memref<108xi32, #tpu.memory_space<vmem>>
    %dma_start3A_119 = arith.constant 0 : i32
    %dma_start3A_120 = arith.constant 0 : i32
    %dma_start3A_121 = tpu.memref_slice %arg2[%dma_start3A_119, %dma_start3A_120] : memref<12288x64xf32, #tpu.memory_space<hbm>> -> memref<12288x64xf32, #tpu.memory_space<hbm>>
    tpu.enqueue_indirect_dma source(%dma_start3A_121 : memref<12288x64xf32, #tpu.memory_space<hbm>>) target(%dma_start3A_115 : memref<108x64xf32, #tpu.memory_space<vmem>>) offsets(%dma_start3A_118 : memref<108xi32, #tpu.memory_space<vmem>>) semaphore(%arg7 : memref<!tpu.dma_semaphore, #tpu.memory_space<semaphore_mem>>)
    %dma_start3A_122 = arith.constant 12 : i32
    %dma_start3A_123 = arith.constant 1296 : i32
    %dma_start3A_124 = arith.constant 0 : i32
    %dma_start3A_125 = tpu.memref_slice %arg6[%dma_start3A_123, %dma_start3A_124] : memref<1728x64xf32, #tpu.memory_space<vmem>> -> memref<108x64xf32, #tpu.memory_space<vmem>>
    %dma_start3A_126 = arith.constant 0 : i32
    %dma_start3A_127 = tpu.memref_slice %arg5[%dma_start3A_122, %dma_start3A_126] : memref<16x108xi32, #tpu.memory_space<vmem>> -> memref<1x108xi32, #tpu.memory_space<vmem>>
    %dma_start3A_128 = tpu.memref_squeeze %dma_start3A_127 : memref<1x108xi32, #tpu.memory_space<vmem>> -> memref<108xi32, #tpu.memory_space<vmem>>
    %dma_start3A_129 = arith.constant 0 : i32
    %dma_start3A_130 = arith.constant 0 : i32
    %dma_start3A_131 = tpu.memref_slice %arg2[%dma_start3A_129, %dma_start3A_130] : memref<12288x64xf32, #tpu.memory_space<hbm>> -> memref<12288x64xf32, #tpu.memory_space<hbm>>
    tpu.enqueue_indirect_dma source(%dma_start3A_131 : memref<12288x64xf32, #tpu.memory_space<hbm>>) target(%dma_start3A_125 : memref<108x64xf32, #tpu.memory_space<vmem>>) offsets(%dma_start3A_128 : memref<108xi32, #tpu.memory_space<vmem>>) semaphore(%arg7 : memref<!tpu.dma_semaphore, #tpu.memory_space<semaphore_mem>>)
    %dma_start3A_132 = arith.constant 13 : i32
    %dma_start3A_133 = arith.constant 1404 : i32
    %dma_start3A_134 = arith.constant 0 : i32
    %dma_start3A_135 = tpu.memref_slice %arg6[%dma_start3A_133, %dma_start3A_134] : memref<1728x64xf32, #tpu.memory_space<vmem>> -> memref<108x64xf32, #tpu.memory_space<vmem>>
    %dma_start3A_136 = arith.constant 0 : i32
    %dma_start3A_137 = tpu.memref_slice %arg5[%dma_start3A_132, %dma_start3A_136] : memref<16x108xi32, #tpu.memory_space<vmem>> -> memref<1x108xi32, #tpu.memory_space<vmem>>
    %dma_start3A_138 = tpu.memref_squeeze %dma_start3A_137 : memref<1x108xi32, #tpu.memory_space<vmem>> -> memref<108xi32, #tpu.memory_space<vmem>>
    %dma_start3A_139 = arith.constant 0 : i32
    %dma_start3A_140 = arith.constant 0 : i32
    %dma_start3A_141 = tpu.memref_slice %arg2[%dma_start3A_139, %dma_start3A_140] : memref<12288x64xf32, #tpu.memory_space<hbm>> -> memref<12288x64xf32, #tpu.memory_space<hbm>>
    tpu.enqueue_indirect_dma source(%dma_start3A_141 : memref<12288x64xf32, #tpu.memory_space<hbm>>) target(%dma_start3A_135 : memref<108x64xf32, #tpu.memory_space<vmem>>) offsets(%dma_start3A_138 : memref<108xi32, #tpu.memory_space<vmem>>) semaphore(%arg7 : memref<!tpu.dma_semaphore, #tpu.memory_space<semaphore_mem>>)
    %dma_start3A_142 = arith.constant 14 : i32
    %dma_start3A_143 = arith.constant 1512 : i32
    %dma_start3A_144 = arith.constant 0 : i32
    %dma_start3A_145 = tpu.memref_slice %arg6[%dma_start3A_143, %dma_start3A_144] : memref<1728x64xf32, #tpu.memory_space<vmem>> -> memref<108x64xf32, #tpu.memory_space<vmem>>
    %dma_start3A_146 = arith.constant 0 : i32
    %dma_start3A_147 = tpu.memref_slice %arg5[%dma_start3A_142, %dma_start3A_146] : memref<16x108xi32, #tpu.memory_space<vmem>> -> memref<1x108xi32, #tpu.memory_space<vmem>>
    %dma_start3A_148 = tpu.memref_squeeze %dma_start3A_147 : memref<1x108xi32, #tpu.memory_space<vmem>> -> memref<108xi32, #tpu.memory_space<vmem>>
    %dma_start3A_149 = arith.constant 0 : i32
    %dma_start3A_150 = arith.constant 0 : i32
    %dma_start3A_151 = tpu.memref_slice %arg2[%dma_start3A_149, %dma_start3A_150] : memref<12288x64xf32, #tpu.memory_space<hbm>> -> memref<12288x64xf32, #tpu.memory_space<hbm>>
    tpu.enqueue_indirect_dma source(%dma_start3A_151 : memref<12288x64xf32, #tpu.memory_space<hbm>>) target(%dma_start3A_145 : memref<108x64xf32, #tpu.memory_space<vmem>>) offsets(%dma_start3A_148 : memref<108xi32, #tpu.memory_space<vmem>>) semaphore(%arg7 : memref<!tpu.dma_semaphore, #tpu.memory_space<semaphore_mem>>)
    %dma_start3A_152 = arith.constant 15 : i32
    %dma_start3A_153 = arith.constant 1620 : i32
    %dma_start3A_154 = arith.constant 0 : i32
    %dma_start3A_155 = tpu.memref_slice %arg6[%dma_start3A_153, %dma_start3A_154] : memref<1728x64xf32, #tpu.memory_space<vmem>> -> memref<108x64xf32, #tpu.memory_space<vmem>>
    %dma_start3A_156 = arith.constant 0 : i32
    %dma_start3A_157 = tpu.memref_slice %arg5[%dma_start3A_152, %dma_start3A_156] : memref<16x108xi32, #tpu.memory_space<vmem>> -> memref<1x108xi32, #tpu.memory_space<vmem>>
    %dma_start3A_158 = tpu.memref_squeeze %dma_start3A_157 : memref<1x108xi32, #tpu.memory_space<vmem>> -> memref<108xi32, #tpu.memory_space<vmem>>
    %dma_start3A_159 = arith.constant 0 : i32
    %dma_start3A_160 = arith.constant 0 : i32
    %dma_start3A_161 = tpu.memref_slice %arg2[%dma_start3A_159, %dma_start3A_160] : memref<12288x64xf32, #tpu.memory_space<hbm>> -> memref<12288x64xf32, #tpu.memory_space<hbm>>
    tpu.enqueue_indirect_dma source(%dma_start3A_161 : memref<12288x64xf32, #tpu.memory_space<hbm>>) target(%dma_start3A_155 : memref<108x64xf32, #tpu.memory_space<vmem>>) offsets(%dma_start3A_158 : memref<108xi32, #tpu.memory_space<vmem>>) semaphore(%arg7 : memref<!tpu.dma_semaphore, #tpu.memory_space<semaphore_mem>>)
    %dma_wait3A = arith.constant 0 : i32
    %dma_wait3A_162 = arith.constant 0 : i32
    %dma_wait3A_163 = arith.constant 0 : i32
    %dma_wait3A_164 = tpu.memref_slice %arg6[%dma_wait3A_162, %dma_wait3A_163] : memref<1728x64xf32, #tpu.memory_space<vmem>> -> memref<108x64xf32, #tpu.memory_space<vmem>>
    %dma_wait3A_165 = arith.constant 0 : i32
    %dma_wait3A_166 = tpu.memref_slice %arg5[%dma_wait3A, %dma_wait3A_165] : memref<16x108xi32, #tpu.memory_space<vmem>> -> memref<1x108xi32, #tpu.memory_space<vmem>>
    %dma_wait3A_167 = tpu.memref_squeeze %dma_wait3A_166 : memref<1x108xi32, #tpu.memory_space<vmem>> -> memref<108xi32, #tpu.memory_space<vmem>>
    %dma_wait3A_168 = arith.constant 0 : i32
    %dma_wait3A_169 = arith.constant 0 : i32
    %dma_wait3A_170 = tpu.memref_slice %arg2[%dma_wait3A_168, %dma_wait3A_169] : memref<12288x64xf32, #tpu.memory_space<hbm>> -> memref<12288x64xf32, #tpu.memory_space<hbm>>
    tpu.wait_indirect_dma semaphore(%arg7 : memref<!tpu.dma_semaphore, #tpu.memory_space<semaphore_mem>>) src(%dma_wait3A_170 : memref<12288x64xf32, #tpu.memory_space<hbm>>) dst(%dma_wait3A_164 : memref<108x64xf32, #tpu.memory_space<vmem>>)
    %dma_wait3A_171 = arith.constant 1 : i32
    %dma_wait3A_172 = arith.constant 108 : i32
    %dma_wait3A_173 = arith.constant 0 : i32
    %dma_wait3A_174 = tpu.memref_slice %arg6[%dma_wait3A_172, %dma_wait3A_173] : memref<1728x64xf32, #tpu.memory_space<vmem>> -> memref<108x64xf32, #tpu.memory_space<vmem>>
    %dma_wait3A_175 = arith.constant 0 : i32
    %dma_wait3A_176 = tpu.memref_slice %arg5[%dma_wait3A_171, %dma_wait3A_175] : memref<16x108xi32, #tpu.memory_space<vmem>> -> memref<1x108xi32, #tpu.memory_space<vmem>>
    %dma_wait3A_177 = tpu.memref_squeeze %dma_wait3A_176 : memref<1x108xi32, #tpu.memory_space<vmem>> -> memref<108xi32, #tpu.memory_space<vmem>>
    %dma_wait3A_178 = arith.constant 0 : i32
    %dma_wait3A_179 = arith.constant 0 : i32
    %dma_wait3A_180 = tpu.memref_slice %arg2[%dma_wait3A_178, %dma_wait3A_179] : memref<12288x64xf32, #tpu.memory_space<hbm>> -> memref<12288x64xf32, #tpu.memory_space<hbm>>
    tpu.wait_indirect_dma semaphore(%arg7 : memref<!tpu.dma_semaphore, #tpu.memory_space<semaphore_mem>>) src(%dma_wait3A_180 : memref<12288x64xf32, #tpu.memory_space<hbm>>) dst(%dma_wait3A_174 : memref<108x64xf32, #tpu.memory_space<vmem>>)
    %dma_wait3A_181 = arith.constant 2 : i32
    %dma_wait3A_182 = arith.constant 216 : i32
    %dma_wait3A_183 = arith.constant 0 : i32
    %dma_wait3A_184 = tpu.memref_slice %arg6[%dma_wait3A_182, %dma_wait3A_183] : memref<1728x64xf32, #tpu.memory_space<vmem>> -> memref<108x64xf32, #tpu.memory_space<vmem>>
    %dma_wait3A_185 = arith.constant 0 : i32
    %dma_wait3A_186 = tpu.memref_slice %arg5[%dma_wait3A_181, %dma_wait3A_185] : memref<16x108xi32, #tpu.memory_space<vmem>> -> memref<1x108xi32, #tpu.memory_space<vmem>>
    %dma_wait3A_187 = tpu.memref_squeeze %dma_wait3A_186 : memref<1x108xi32, #tpu.memory_space<vmem>> -> memref<108xi32, #tpu.memory_space<vmem>>
    %dma_wait3A_188 = arith.constant 0 : i32
    %dma_wait3A_189 = arith.constant 0 : i32
    %dma_wait3A_190 = tpu.memref_slice %arg2[%dma_wait3A_188, %dma_wait3A_189] : memref<12288x64xf32, #tpu.memory_space<hbm>> -> memref<12288x64xf32, #tpu.memory_space<hbm>>
    tpu.wait_indirect_dma semaphore(%arg7 : memref<!tpu.dma_semaphore, #tpu.memory_space<semaphore_mem>>) src(%dma_wait3A_190 : memref<12288x64xf32, #tpu.memory_space<hbm>>) dst(%dma_wait3A_184 : memref<108x64xf32, #tpu.memory_space<vmem>>)
    %dma_wait3A_191 = arith.constant 3 : i32
    %dma_wait3A_192 = arith.constant 324 : i32
    %dma_wait3A_193 = arith.constant 0 : i32
    %dma_wait3A_194 = tpu.memref_slice %arg6[%dma_wait3A_192, %dma_wait3A_193] : memref<1728x64xf32, #tpu.memory_space<vmem>> -> memref<108x64xf32, #tpu.memory_space<vmem>>
    %dma_wait3A_195 = arith.constant 0 : i32
    %dma_wait3A_196 = tpu.memref_slice %arg5[%dma_wait3A_191, %dma_wait3A_195] : memref<16x108xi32, #tpu.memory_space<vmem>> -> memref<1x108xi32, #tpu.memory_space<vmem>>
    %dma_wait3A_197 = tpu.memref_squeeze %dma_wait3A_196 : memref<1x108xi32, #tpu.memory_space<vmem>> -> memref<108xi32, #tpu.memory_space<vmem>>
    %dma_wait3A_198 = arith.constant 0 : i32
    %dma_wait3A_199 = arith.constant 0 : i32
    %dma_wait3A_200 = tpu.memref_slice %arg2[%dma_wait3A_198, %dma_wait3A_199] : memref<12288x64xf32, #tpu.memory_space<hbm>> -> memref<12288x64xf32, #tpu.memory_space<hbm>>
    tpu.wait_indirect_dma semaphore(%arg7 : memref<!tpu.dma_semaphore, #tpu.memory_space<semaphore_mem>>) src(%dma_wait3A_200 : memref<12288x64xf32, #tpu.memory_space<hbm>>) dst(%dma_wait3A_194 : memref<108x64xf32, #tpu.memory_space<vmem>>)
    %dma_wait3A_201 = arith.constant 4 : i32
    %dma_wait3A_202 = arith.constant 432 : i32
    %dma_wait3A_203 = arith.constant 0 : i32
    %dma_wait3A_204 = tpu.memref_slice %arg6[%dma_wait3A_202, %dma_wait3A_203] : memref<1728x64xf32, #tpu.memory_space<vmem>> -> memref<108x64xf32, #tpu.memory_space<vmem>>
    %dma_wait3A_205 = arith.constant 0 : i32
    %dma_wait3A_206 = tpu.memref_slice %arg5[%dma_wait3A_201, %dma_wait3A_205] : memref<16x108xi32, #tpu.memory_space<vmem>> -> memref<1x108xi32, #tpu.memory_space<vmem>>
    %dma_wait3A_207 = tpu.memref_squeeze %dma_wait3A_206 : memref<1x108xi32, #tpu.memory_space<vmem>> -> memref<108xi32, #tpu.memory_space<vmem>>
    %dma_wait3A_208 = arith.constant 0 : i32
    %dma_wait3A_209 = arith.constant 0 : i32
    %dma_wait3A_210 = tpu.memref_slice %arg2[%dma_wait3A_208, %dma_wait3A_209] : memref<12288x64xf32, #tpu.memory_space<hbm>> -> memref<12288x64xf32, #tpu.memory_space<hbm>>
    tpu.wait_indirect_dma semaphore(%arg7 : memref<!tpu.dma_semaphore, #tpu.memory_space<semaphore_mem>>) src(%dma_wait3A_210 : memref<12288x64xf32, #tpu.memory_space<hbm>>) dst(%dma_wait3A_204 : memref<108x64xf32, #tpu.memory_space<vmem>>)
    %dma_wait3A_211 = arith.constant 5 : i32
    %dma_wait3A_212 = arith.constant 540 : i32
    %dma_wait3A_213 = arith.constant 0 : i32
    %dma_wait3A_214 = tpu.memref_slice %arg6[%dma_wait3A_212, %dma_wait3A_213] : memref<1728x64xf32, #tpu.memory_space<vmem>> -> memref<108x64xf32, #tpu.memory_space<vmem>>
    %dma_wait3A_215 = arith.constant 0 : i32
    %dma_wait3A_216 = tpu.memref_slice %arg5[%dma_wait3A_211, %dma_wait3A_215] : memref<16x108xi32, #tpu.memory_space<vmem>> -> memref<1x108xi32, #tpu.memory_space<vmem>>
    %dma_wait3A_217 = tpu.memref_squeeze %dma_wait3A_216 : memref<1x108xi32, #tpu.memory_space<vmem>> -> memref<108xi32, #tpu.memory_space<vmem>>
    %dma_wait3A_218 = arith.constant 0 : i32
    %dma_wait3A_219 = arith.constant 0 : i32
    %dma_wait3A_220 = tpu.memref_slice %arg2[%dma_wait3A_218, %dma_wait3A_219] : memref<12288x64xf32, #tpu.memory_space<hbm>> -> memref<12288x64xf32, #tpu.memory_space<hbm>>
    tpu.wait_indirect_dma semaphore(%arg7 : memref<!tpu.dma_semaphore, #tpu.memory_space<semaphore_mem>>) src(%dma_wait3A_220 : memref<12288x64xf32, #tpu.memory_space<hbm>>) dst(%dma_wait3A_214 : memref<108x64xf32, #tpu.memory_space<vmem>>)
    %dma_wait3A_221 = arith.constant 6 : i32
    %dma_wait3A_222 = arith.constant 648 : i32
    %dma_wait3A_223 = arith.constant 0 : i32
    %dma_wait3A_224 = tpu.memref_slice %arg6[%dma_wait3A_222, %dma_wait3A_223] : memref<1728x64xf32, #tpu.memory_space<vmem>> -> memref<108x64xf32, #tpu.memory_space<vmem>>
    %dma_wait3A_225 = arith.constant 0 : i32
    %dma_wait3A_226 = tpu.memref_slice %arg5[%dma_wait3A_221, %dma_wait3A_225] : memref<16x108xi32, #tpu.memory_space<vmem>> -> memref<1x108xi32, #tpu.memory_space<vmem>>
    %dma_wait3A_227 = tpu.memref_squeeze %dma_wait3A_226 : memref<1x108xi32, #tpu.memory_space<vmem>> -> memref<108xi32, #tpu.memory_space<vmem>>
    %dma_wait3A_228 = arith.constant 0 : i32
    %dma_wait3A_229 = arith.constant 0 : i32
    %dma_wait3A_230 = tpu.memref_slice %arg2[%dma_wait3A_228, %dma_wait3A_229] : memref<12288x64xf32, #tpu.memory_space<hbm>> -> memref<12288x64xf32, #tpu.memory_space<hbm>>
    tpu.wait_indirect_dma semaphore(%arg7 : memref<!tpu.dma_semaphore, #tpu.memory_space<semaphore_mem>>) src(%dma_wait3A_230 : memref<12288x64xf32, #tpu.memory_space<hbm>>) dst(%dma_wait3A_224 : memref<108x64xf32, #tpu.memory_space<vmem>>)
    %dma_wait3A_231 = arith.constant 7 : i32
    %dma_wait3A_232 = arith.constant 756 : i32
    %dma_wait3A_233 = arith.constant 0 : i32
    %dma_wait3A_234 = tpu.memref_slice %arg6[%dma_wait3A_232, %dma_wait3A_233] : memref<1728x64xf32, #tpu.memory_space<vmem>> -> memref<108x64xf32, #tpu.memory_space<vmem>>
    %dma_wait3A_235 = arith.constant 0 : i32
    %dma_wait3A_236 = tpu.memref_slice %arg5[%dma_wait3A_231, %dma_wait3A_235] : memref<16x108xi32, #tpu.memory_space<vmem>> -> memref<1x108xi32, #tpu.memory_space<vmem>>
    %dma_wait3A_237 = tpu.memref_squeeze %dma_wait3A_236 : memref<1x108xi32, #tpu.memory_space<vmem>> -> memref<108xi32, #tpu.memory_space<vmem>>
    %dma_wait3A_238 = arith.constant 0 : i32
    %dma_wait3A_239 = arith.constant 0 : i32
    %dma_wait3A_240 = tpu.memref_slice %arg2[%dma_wait3A_238, %dma_wait3A_239] : memref<12288x64xf32, #tpu.memory_space<hbm>> -> memref<12288x64xf32, #tpu.memory_space<hbm>>
    tpu.wait_indirect_dma semaphore(%arg7 : memref<!tpu.dma_semaphore, #tpu.memory_space<semaphore_mem>>) src(%dma_wait3A_240 : memref<12288x64xf32, #tpu.memory_space<hbm>>) dst(%dma_wait3A_234 : memref<108x64xf32, #tpu.memory_space<vmem>>)
    %dma_wait3A_241 = arith.constant 8 : i32
    %dma_wait3A_242 = arith.constant 864 : i32
    %dma_wait3A_243 = arith.constant 0 : i32
    %dma_wait3A_244 = tpu.memref_slice %arg6[%dma_wait3A_242, %dma_wait3A_243] : memref<1728x64xf32, #tpu.memory_space<vmem>> -> memref<108x64xf32, #tpu.memory_space<vmem>>
    %dma_wait3A_245 = arith.constant 0 : i32
    %dma_wait3A_246 = tpu.memref_slice %arg5[%dma_wait3A_241, %dma_wait3A_245] : memref<16x108xi32, #tpu.memory_space<vmem>> -> memref<1x108xi32, #tpu.memory_space<vmem>>
    %dma_wait3A_247 = tpu.memref_squeeze %dma_wait3A_246 : memref<1x108xi32, #tpu.memory_space<vmem>> -> memref<108xi32, #tpu.memory_space<vmem>>
    %dma_wait3A_248 = arith.constant 0 : i32
    %dma_wait3A_249 = arith.constant 0 : i32
    %dma_wait3A_250 = tpu.memref_slice %arg2[%dma_wait3A_248, %dma_wait3A_249] : memref<12288x64xf32, #tpu.memory_space<hbm>> -> memref<12288x64xf32, #tpu.memory_space<hbm>>
    tpu.wait_indirect_dma semaphore(%arg7 : memref<!tpu.dma_semaphore, #tpu.memory_space<semaphore_mem>>) src(%dma_wait3A_250 : memref<12288x64xf32, #tpu.memory_space<hbm>>) dst(%dma_wait3A_244 : memref<108x64xf32, #tpu.memory_space<vmem>>)
    %dma_wait3A_251 = arith.constant 9 : i32
    %dma_wait3A_252 = arith.constant 972 : i32
    %dma_wait3A_253 = arith.constant 0 : i32
    %dma_wait3A_254 = tpu.memref_slice %arg6[%dma_wait3A_252, %dma_wait3A_253] : memref<1728x64xf32, #tpu.memory_space<vmem>> -> memref<108x64xf32, #tpu.memory_space<vmem>>
    %dma_wait3A_255 = arith.constant 0 : i32
    %dma_wait3A_256 = tpu.memref_slice %arg5[%dma_wait3A_251, %dma_wait3A_255] : memref<16x108xi32, #tpu.memory_space<vmem>> -> memref<1x108xi32, #tpu.memory_space<vmem>>
    %dma_wait3A_257 = tpu.memref_squeeze %dma_wait3A_256 : memref<1x108xi32, #tpu.memory_space<vmem>> -> memref<108xi32, #tpu.memory_space<vmem>>
    %dma_wait3A_258 = arith.constant 0 : i32
    %dma_wait3A_259 = arith.constant 0 : i32
    %dma_wait3A_260 = tpu.memref_slice %arg2[%dma_wait3A_258, %dma_wait3A_259] : memref<12288x64xf32, #tpu.memory_space<hbm>> -> memref<12288x64xf32, #tpu.memory_space<hbm>>
    tpu.wait_indirect_dma semaphore(%arg7 : memref<!tpu.dma_semaphore, #tpu.memory_space<semaphore_mem>>) src(%dma_wait3A_260 : memref<12288x64xf32, #tpu.memory_space<hbm>>) dst(%dma_wait3A_254 : memref<108x64xf32, #tpu.memory_space<vmem>>)
    %dma_wait3A_261 = arith.constant 10 : i32
    %dma_wait3A_262 = arith.constant 1080 : i32
    %dma_wait3A_263 = arith.constant 0 : i32
    %dma_wait3A_264 = tpu.memref_slice %arg6[%dma_wait3A_262, %dma_wait3A_263] : memref<1728x64xf32, #tpu.memory_space<vmem>> -> memref<108x64xf32, #tpu.memory_space<vmem>>
    %dma_wait3A_265 = arith.constant 0 : i32
    %dma_wait3A_266 = tpu.memref_slice %arg5[%dma_wait3A_261, %dma_wait3A_265] : memref<16x108xi32, #tpu.memory_space<vmem>> -> memref<1x108xi32, #tpu.memory_space<vmem>>
    %dma_wait3A_267 = tpu.memref_squeeze %dma_wait3A_266 : memref<1x108xi32, #tpu.memory_space<vmem>> -> memref<108xi32, #tpu.memory_space<vmem>>
    %dma_wait3A_268 = arith.constant 0 : i32
    %dma_wait3A_269 = arith.constant 0 : i32
    %dma_wait3A_270 = tpu.memref_slice %arg2[%dma_wait3A_268, %dma_wait3A_269] : memref<12288x64xf32, #tpu.memory_space<hbm>> -> memref<12288x64xf32, #tpu.memory_space<hbm>>
    tpu.wait_indirect_dma semaphore(%arg7 : memref<!tpu.dma_semaphore, #tpu.memory_space<semaphore_mem>>) src(%dma_wait3A_270 : memref<12288x64xf32, #tpu.memory_space<hbm>>) dst(%dma_wait3A_264 : memref<108x64xf32, #tpu.memory_space<vmem>>)
    %dma_wait3A_271 = arith.constant 11 : i32
    %dma_wait3A_272 = arith.constant 1188 : i32
    %dma_wait3A_273 = arith.constant 0 : i32
    %dma_wait3A_274 = tpu.memref_slice %arg6[%dma_wait3A_272, %dma_wait3A_273] : memref<1728x64xf32, #tpu.memory_space<vmem>> -> memref<108x64xf32, #tpu.memory_space<vmem>>
    %dma_wait3A_275 = arith.constant 0 : i32
    %dma_wait3A_276 = tpu.memref_slice %arg5[%dma_wait3A_271, %dma_wait3A_275] : memref<16x108xi32, #tpu.memory_space<vmem>> -> memref<1x108xi32, #tpu.memory_space<vmem>>
    %dma_wait3A_277 = tpu.memref_squeeze %dma_wait3A_276 : memref<1x108xi32, #tpu.memory_space<vmem>> -> memref<108xi32, #tpu.memory_space<vmem>>
    %dma_wait3A_278 = arith.constant 0 : i32
    %dma_wait3A_279 = arith.constant 0 : i32
    %dma_wait3A_280 = tpu.memref_slice %arg2[%dma_wait3A_278, %dma_wait3A_279] : memref<12288x64xf32, #tpu.memory_space<hbm>> -> memref<12288x64xf32, #tpu.memory_space<hbm>>
    tpu.wait_indirect_dma semaphore(%arg7 : memref<!tpu.dma_semaphore, #tpu.memory_space<semaphore_mem>>) src(%dma_wait3A_280 : memref<12288x64xf32, #tpu.memory_space<hbm>>) dst(%dma_wait3A_274 : memref<108x64xf32, #tpu.memory_space<vmem>>)
    %dma_wait3A_281 = arith.constant 12 : i32
    %dma_wait3A_282 = arith.constant 1296 : i32
    %dma_wait3A_283 = arith.constant 0 : i32
    %dma_wait3A_284 = tpu.memref_slice %arg6[%dma_wait3A_282, %dma_wait3A_283] : memref<1728x64xf32, #tpu.memory_space<vmem>> -> memref<108x64xf32, #tpu.memory_space<vmem>>
    %dma_wait3A_285 = arith.constant 0 : i32
    %dma_wait3A_286 = tpu.memref_slice %arg5[%dma_wait3A_281, %dma_wait3A_285] : memref<16x108xi32, #tpu.memory_space<vmem>> -> memref<1x108xi32, #tpu.memory_space<vmem>>
    %dma_wait3A_287 = tpu.memref_squeeze %dma_wait3A_286 : memref<1x108xi32, #tpu.memory_space<vmem>> -> memref<108xi32, #tpu.memory_space<vmem>>
    %dma_wait3A_288 = arith.constant 0 : i32
    %dma_wait3A_289 = arith.constant 0 : i32
    %dma_wait3A_290 = tpu.memref_slice %arg2[%dma_wait3A_288, %dma_wait3A_289] : memref<12288x64xf32, #tpu.memory_space<hbm>> -> memref<12288x64xf32, #tpu.memory_space<hbm>>
    tpu.wait_indirect_dma semaphore(%arg7 : memref<!tpu.dma_semaphore, #tpu.memory_space<semaphore_mem>>) src(%dma_wait3A_290 : memref<12288x64xf32, #tpu.memory_space<hbm>>) dst(%dma_wait3A_284 : memref<108x64xf32, #tpu.memory_space<vmem>>)
    %dma_wait3A_291 = arith.constant 13 : i32
    %dma_wait3A_292 = arith.constant 1404 : i32
    %dma_wait3A_293 = arith.constant 0 : i32
    %dma_wait3A_294 = tpu.memref_slice %arg6[%dma_wait3A_292, %dma_wait3A_293] : memref<1728x64xf32, #tpu.memory_space<vmem>> -> memref<108x64xf32, #tpu.memory_space<vmem>>
    %dma_wait3A_295 = arith.constant 0 : i32
    %dma_wait3A_296 = tpu.memref_slice %arg5[%dma_wait3A_291, %dma_wait3A_295] : memref<16x108xi32, #tpu.memory_space<vmem>> -> memref<1x108xi32, #tpu.memory_space<vmem>>
    %dma_wait3A_297 = tpu.memref_squeeze %dma_wait3A_296 : memref<1x108xi32, #tpu.memory_space<vmem>> -> memref<108xi32, #tpu.memory_space<vmem>>
    %dma_wait3A_298 = arith.constant 0 : i32
    %dma_wait3A_299 = arith.constant 0 : i32
    %dma_wait3A_300 = tpu.memref_slice %arg2[%dma_wait3A_298, %dma_wait3A_299] : memref<12288x64xf32, #tpu.memory_space<hbm>> -> memref<12288x64xf32, #tpu.memory_space<hbm>>
    tpu.wait_indirect_dma semaphore(%arg7 : memref<!tpu.dma_semaphore, #tpu.memory_space<semaphore_mem>>) src(%dma_wait3A_300 : memref<12288x64xf32, #tpu.memory_space<hbm>>) dst(%dma_wait3A_294 : memref<108x64xf32, #tpu.memory_space<vmem>>)
    %dma_wait3A_301 = arith.constant 14 : i32
    %dma_wait3A_302 = arith.constant 1512 : i32
    %dma_wait3A_303 = arith.constant 0 : i32
    %dma_wait3A_304 = tpu.memref_slice %arg6[%dma_wait3A_302, %dma_wait3A_303] : memref<1728x64xf32, #tpu.memory_space<vmem>> -> memref<108x64xf32, #tpu.memory_space<vmem>>
    %dma_wait3A_305 = arith.constant 0 : i32
    %dma_wait3A_306 = tpu.memref_slice %arg5[%dma_wait3A_301, %dma_wait3A_305] : memref<16x108xi32, #tpu.memory_space<vmem>> -> memref<1x108xi32, #tpu.memory_space<vmem>>
    %dma_wait3A_307 = tpu.memref_squeeze %dma_wait3A_306 : memref<1x108xi32, #tpu.memory_space<vmem>> -> memref<108xi32, #tpu.memory_space<vmem>>
    %dma_wait3A_308 = arith.constant 0 : i32
    %dma_wait3A_309 = arith.constant 0 : i32
    %dma_wait3A_310 = tpu.memref_slice %arg2[%dma_wait3A_308, %dma_wait3A_309] : memref<12288x64xf32, #tpu.memory_space<hbm>> -> memref<12288x64xf32, #tpu.memory_space<hbm>>
    tpu.wait_indirect_dma semaphore(%arg7 : memref<!tpu.dma_semaphore, #tpu.memory_space<semaphore_mem>>) src(%dma_wait3A_310 : memref<12288x64xf32, #tpu.memory_space<hbm>>) dst(%dma_wait3A_304 : memref<108x64xf32, #tpu.memory_space<vmem>>)
    %dma_wait3A_311 = arith.constant 15 : i32
    %dma_wait3A_312 = arith.constant 1620 : i32
    %dma_wait3A_313 = arith.constant 0 : i32
    %dma_wait3A_314 = tpu.memref_slice %arg6[%dma_wait3A_312, %dma_wait3A_313] : memref<1728x64xf32, #tpu.memory_space<vmem>> -> memref<108x64xf32, #tpu.memory_space<vmem>>
    %dma_wait3A_315 = arith.constant 0 : i32
    %dma_wait3A_316 = tpu.memref_slice %arg5[%dma_wait3A_311, %dma_wait3A_315] : memref<16x108xi32, #tpu.memory_space<vmem>> -> memref<1x108xi32, #tpu.memory_space<vmem>>
    %dma_wait3A_317 = tpu.memref_squeeze %dma_wait3A_316 : memref<1x108xi32, #tpu.memory_space<vmem>> -> memref<108xi32, #tpu.memory_space<vmem>>
    %dma_wait3A_318 = arith.constant 0 : i32
    %dma_wait3A_319 = arith.constant 0 : i32
    %dma_wait3A_320 = tpu.memref_slice %arg2[%dma_wait3A_318, %dma_wait3A_319] : memref<12288x64xf32, #tpu.memory_space<hbm>> -> memref<12288x64xf32, #tpu.memory_space<hbm>>
    tpu.wait_indirect_dma semaphore(%arg7 : memref<!tpu.dma_semaphore, #tpu.memory_space<semaphore_mem>>) src(%dma_wait3A_320 : memref<12288x64xf32, #tpu.memory_space<hbm>>) dst(%dma_wait3A_314 : memref<108x64xf32, #tpu.memory_space<vmem>>)
    %mul3A_321 = arith.constant 1728 : i32
    %mul3A_322 = arith.muli %add3A, %mul3A_321 : i32
    "tpu.region"() ({
      %run_scoped3A = tpu.sem_alloc : memref<!tpu.dma_semaphore, #tpu.memory_space<semaphore_mem>>
      %dma_start3A_323 = arith.constant 0 : i32
      %dma_start3A_324 = tpu.memref_slice %arg4[%mul3A_322, %dma_start3A_323] : memref<55296x64xf32, #tpu.memory_space<hbm>> -> memref<1728x64xf32, #tpu.memory_space<hbm>>
      %dma_start3A_325 = arith.constant 0 : i32
      %dma_start3A_326 = tpu.memref_slice %arg4[%mul3A_322, %dma_start3A_325] : memref<55296x64xf32, #tpu.memory_space<hbm>> -> memref<1728x64xf32, #tpu.memory_space<hbm>>
      tpu.enqueue_dma source(%arg6 : memref<1728x64xf32, #tpu.memory_space<vmem>>) target(%dma_start3A_326 : memref<1728x64xf32, #tpu.memory_space<hbm>>) target_semaphore(%run_scoped3A : memref<!tpu.dma_semaphore, #tpu.memory_space<semaphore_mem>>)
      %dma_wait3A_327 = arith.constant 0 : i32
      %dma_wait3A_328 = tpu.memref_slice %arg4[%mul3A_322, %dma_wait3A_327] : memref<55296x64xf32, #tpu.memory_space<hbm>> -> memref<1728x64xf32, #tpu.memory_space<hbm>>
      %dma_wait3A_329 = arith.constant 0 : i32
      %dma_wait3A_330 = tpu.memref_slice %arg4[%mul3A_322, %dma_wait3A_329] : memref<55296x64xf32, #tpu.memory_space<hbm>> -> memref<1728x64xf32, #tpu.memory_space<hbm>>
      tpu.wait_dma2 semaphore(%run_scoped3A : memref<!tpu.dma_semaphore, #tpu.memory_space<semaphore_mem>>) src(%arg6 : memref<1728x64xf32, #tpu.memory_space<vmem>>) dst(%dma_wait3A_330 : memref<1728x64xf32, #tpu.memory_space<hbm>>)
      tpu.yield
    }) : () -> ()
    return
  }
}

module attributes {stable_mosaic.version = 14 : i64} {
  func.func @_encode_body(%arg0: i32, %arg1: memref<256x768xf32, #tpu.memory_space<vmem>>, %arg2: memref<12x1024x72xf32, #tpu.memory_space<vmem>>, %arg3: memref<12x1024x512xbf16, #tpu.memory_space<vmem>>, %arg4: memref<256x768xf32, #tpu.memory_space<vmem>>, %arg5: memref<256x12xi32, #tpu.memory_space<vmem>>, %arg6: memref<256x12xi32, #tpu.memory_space<vmem>>, %arg7: memref<12x1024xf32, #tpu.memory_space<vmem>>) attributes {dimension_semantics = [#tpu.dimension_semantics<arbitrary>], iteration_bounds = array<i64: 18>, scalar_prefetch = 0 : i64, scratch_operands = 1 : i64, tpu.core_type = #tpu.core_type<tc>, window_params = [{transform_indices = @transform_0, window_bounds = array<i64: 256, 768>}, {pipeline_mode = #tpu.pipeline_mode<synchronous>, transform_indices = @transform_1, window_bounds = array<i64: 12, 1024, 72>}, {pipeline_mode = #tpu.pipeline_mode<synchronous>, transform_indices = @transform_2, window_bounds = array<i64: 12, 1024, 512>}, {transform_indices = @transform_3, window_bounds = array<i64: 256, 768>}, {transform_indices = @transform_4, window_bounds = array<i64: 256, 12>}, {transform_indices = @transform_5, window_bounds = array<i64: 256, 12>}]} {
    %eq3A = arith.constant 0 : i32
    %eq3A_0 = arith.cmpi eq, %arg0, %eq3A : i32
    %convert_element_type3A = arith.extui %eq3A_0 : i1 to i32
    %cond3A = arith.constant 0 : i32
    %cond3A_1 = arith.cmpi ne, %convert_element_type3A, %cond3A : i32
    scf.if %cond3A_1 {
      %get3A_750 = arith.constant 0 : index
      %get3A_751 = arith.constant 0 : index
      %get3A_752 = arith.constant 0 : index
      %get3A_753 = vector.load %arg2[%get3A_750, %get3A_751, %get3A_752] : memref<12x1024x72xf32, #tpu.memory_space<vmem>>, vector<1x1024x64xf32>
      %get3A_754 = vector.shape_cast %get3A_753 : vector<1x1024x64xf32> to vector<1024x64xf32>
      %mul3A_755 = arith.mulf %get3A_754, %get3A_754 : vector<1024x64xf32>
      %reduce_sum3A_756 = arith.constant dense<0.000000e+00> : vector<1024xf32>
      %reduce_sum3A_757 = vector.multi_reduction <add>, %mul3A_755, %reduce_sum3A_756 [1] : vector<1024x64xf32> to vector<1024xf32>
      %swap3A_758 = arith.constant 0 : index
      %swap3A_759 = arith.constant 0 : index
      %swap3A_760 = vector.load %arg7[%swap3A_758, %swap3A_759] : memref<12x1024xf32, #tpu.memory_space<vmem>>, vector<1x1024xf32>
      %swap3A_761 = vector.shape_cast %swap3A_760 : vector<1x1024xf32> to vector<1024xf32>
      %swap3A_762 = vector.shape_cast %reduce_sum3A_757 : vector<1024xf32> to vector<1x1024xf32>
      tpu.vector_store %arg7[%swap3A_758, %swap3A_759], %swap3A_762 {strides = array<i32>} : memref<12x1024xf32, #tpu.memory_space<vmem>>, vector<1x1024xf32>,
      %get3A_763 = arith.constant 1 : index
      %get3A_764 = arith.constant 0 : index
      %get3A_765 = arith.constant 0 : index
      %get3A_766 = vector.load %arg2[%get3A_763, %get3A_764, %get3A_765] : memref<12x1024x72xf32, #tpu.memory_space<vmem>>, vector<1x1024x64xf32>
      %get3A_767 = vector.shape_cast %get3A_766 : vector<1x1024x64xf32> to vector<1024x64xf32>
      %mul3A_768 = arith.mulf %get3A_767, %get3A_767 : vector<1024x64xf32>
      %reduce_sum3A_769 = arith.constant dense<0.000000e+00> : vector<1024xf32>
      %reduce_sum3A_770 = vector.multi_reduction <add>, %mul3A_768, %reduce_sum3A_769 [1] : vector<1024x64xf32> to vector<1024xf32>
      %swap3A_771 = arith.constant 1 : index
      %swap3A_772 = arith.constant 0 : index
      %swap3A_773 = vector.load %arg7[%swap3A_771, %swap3A_772] : memref<12x1024xf32, #tpu.memory_space<vmem>>, vector<1x1024xf32>
      %swap3A_774 = vector.shape_cast %swap3A_773 : vector<1x1024xf32> to vector<1024xf32>
      %swap3A_775 = vector.shape_cast %reduce_sum3A_770 : vector<1024xf32> to vector<1x1024xf32>
      tpu.vector_store %arg7[%swap3A_771, %swap3A_772], %swap3A_775 {strides = array<i32>} : memref<12x1024xf32, #tpu.memory_space<vmem>>, vector<1x1024xf32>,
      %get3A_776 = arith.constant 2 : index
      %get3A_777 = arith.constant 0 : index
      %get3A_778 = arith.constant 0 : index
      %get3A_779 = vector.load %arg2[%get3A_776, %get3A_777, %get3A_778] : memref<12x1024x72xf32, #tpu.memory_space<vmem>>, vector<1x1024x64xf32>
      %get3A_780 = vector.shape_cast %get3A_779 : vector<1x1024x64xf32> to vector<1024x64xf32>
      %mul3A_781 = arith.mulf %get3A_780, %get3A_780 : vector<1024x64xf32>
      %reduce_sum3A_782 = arith.constant dense<0.000000e+00> : vector<1024xf32>
      %reduce_sum3A_783 = vector.multi_reduction <add>, %mul3A_781, %reduce_sum3A_782 [1] : vector<1024x64xf32> to vector<1024xf32>
      %swap3A_784 = arith.constant 2 : index
      %swap3A_785 = arith.constant 0 : index
      %swap3A_786 = vector.load %arg7[%swap3A_784, %swap3A_785] : memref<12x1024xf32, #tpu.memory_space<vmem>>, vector<1x1024xf32>
      %swap3A_787 = vector.shape_cast %swap3A_786 : vector<1x1024xf32> to vector<1024xf32>
      %swap3A_788 = vector.shape_cast %reduce_sum3A_783 : vector<1024xf32> to vector<1x1024xf32>
      tpu.vector_store %arg7[%swap3A_784, %swap3A_785], %swap3A_788 {strides = array<i32>} : memref<12x1024xf32, #tpu.memory_space<vmem>>, vector<1x1024xf32>,
      %get3A_789 = arith.constant 3 : index
      %get3A_790 = arith.constant 0 : index
      %get3A_791 = arith.constant 0 : index
      %get3A_792 = vector.load %arg2[%get3A_789, %get3A_790, %get3A_791] : memref<12x1024x72xf32, #tpu.memory_space<vmem>>, vector<1x1024x64xf32>
      %get3A_793 = vector.shape_cast %get3A_792 : vector<1x1024x64xf32> to vector<1024x64xf32>
      %mul3A_794 = arith.mulf %get3A_793, %get3A_793 : vector<1024x64xf32>
      %reduce_sum3A_795 = arith.constant dense<0.000000e+00> : vector<1024xf32>
      %reduce_sum3A_796 = vector.multi_reduction <add>, %mul3A_794, %reduce_sum3A_795 [1] : vector<1024x64xf32> to vector<1024xf32>
      %swap3A_797 = arith.constant 3 : index
      %swap3A_798 = arith.constant 0 : index
      %swap3A_799 = vector.load %arg7[%swap3A_797, %swap3A_798] : memref<12x1024xf32, #tpu.memory_space<vmem>>, vector<1x1024xf32>
      %swap3A_800 = vector.shape_cast %swap3A_799 : vector<1x1024xf32> to vector<1024xf32>
      %swap3A_801 = vector.shape_cast %reduce_sum3A_796 : vector<1024xf32> to vector<1x1024xf32>
      tpu.vector_store %arg7[%swap3A_797, %swap3A_798], %swap3A_801 {strides = array<i32>} : memref<12x1024xf32, #tpu.memory_space<vmem>>, vector<1x1024xf32>,
      %get3A_802 = arith.constant 4 : index
      %get3A_803 = arith.constant 0 : index
      %get3A_804 = arith.constant 0 : index
      %get3A_805 = vector.load %arg2[%get3A_802, %get3A_803, %get3A_804] : memref<12x1024x72xf32, #tpu.memory_space<vmem>>, vector<1x1024x64xf32>
      %get3A_806 = vector.shape_cast %get3A_805 : vector<1x1024x64xf32> to vector<1024x64xf32>
      %mul3A_807 = arith.mulf %get3A_806, %get3A_806 : vector<1024x64xf32>
      %reduce_sum3A_808 = arith.constant dense<0.000000e+00> : vector<1024xf32>
      %reduce_sum3A_809 = vector.multi_reduction <add>, %mul3A_807, %reduce_sum3A_808 [1] : vector<1024x64xf32> to vector<1024xf32>
      %swap3A_810 = arith.constant 4 : index
      %swap3A_811 = arith.constant 0 : index
      %swap3A_812 = vector.load %arg7[%swap3A_810, %swap3A_811] : memref<12x1024xf32, #tpu.memory_space<vmem>>, vector<1x1024xf32>
      %swap3A_813 = vector.shape_cast %swap3A_812 : vector<1x1024xf32> to vector<1024xf32>
      %swap3A_814 = vector.shape_cast %reduce_sum3A_809 : vector<1024xf32> to vector<1x1024xf32>
      tpu.vector_store %arg7[%swap3A_810, %swap3A_811], %swap3A_814 {strides = array<i32>} : memref<12x1024xf32, #tpu.memory_space<vmem>>, vector<1x1024xf32>,
      %get3A_815 = arith.constant 5 : index
      %get3A_816 = arith.constant 0 : index
      %get3A_817 = arith.constant 0 : index
      %get3A_818 = vector.load %arg2[%get3A_815, %get3A_816, %get3A_817] : memref<12x1024x72xf32, #tpu.memory_space<vmem>>, vector<1x1024x64xf32>
      %get3A_819 = vector.shape_cast %get3A_818 : vector<1x1024x64xf32> to vector<1024x64xf32>
      %mul3A_820 = arith.mulf %get3A_819, %get3A_819 : vector<1024x64xf32>
      %reduce_sum3A_821 = arith.constant dense<0.000000e+00> : vector<1024xf32>
      %reduce_sum3A_822 = vector.multi_reduction <add>, %mul3A_820, %reduce_sum3A_821 [1] : vector<1024x64xf32> to vector<1024xf32>
      %swap3A_823 = arith.constant 5 : index
      %swap3A_824 = arith.constant 0 : index
      %swap3A_825 = vector.load %arg7[%swap3A_823, %swap3A_824] : memref<12x1024xf32, #tpu.memory_space<vmem>>, vector<1x1024xf32>
      %swap3A_826 = vector.shape_cast %swap3A_825 : vector<1x1024xf32> to vector<1024xf32>
      %swap3A_827 = vector.shape_cast %reduce_sum3A_822 : vector<1024xf32> to vector<1x1024xf32>
      tpu.vector_store %arg7[%swap3A_823, %swap3A_824], %swap3A_827 {strides = array<i32>} : memref<12x1024xf32, #tpu.memory_space<vmem>>, vector<1x1024xf32>,
      %get3A_828 = arith.constant 6 : index
      %get3A_829 = arith.constant 0 : index
      %get3A_830 = arith.constant 0 : index
      %get3A_831 = vector.load %arg2[%get3A_828, %get3A_829, %get3A_830] : memref<12x1024x72xf32, #tpu.memory_space<vmem>>, vector<1x1024x64xf32>
      %get3A_832 = vector.shape_cast %get3A_831 : vector<1x1024x64xf32> to vector<1024x64xf32>
      %mul3A_833 = arith.mulf %get3A_832, %get3A_832 : vector<1024x64xf32>
      %reduce_sum3A_834 = arith.constant dense<0.000000e+00> : vector<1024xf32>
      %reduce_sum3A_835 = vector.multi_reduction <add>, %mul3A_833, %reduce_sum3A_834 [1] : vector<1024x64xf32> to vector<1024xf32>
      %swap3A_836 = arith.constant 6 : index
      %swap3A_837 = arith.constant 0 : index
      %swap3A_838 = vector.load %arg7[%swap3A_836, %swap3A_837] : memref<12x1024xf32, #tpu.memory_space<vmem>>, vector<1x1024xf32>
      %swap3A_839 = vector.shape_cast %swap3A_838 : vector<1x1024xf32> to vector<1024xf32>
      %swap3A_840 = vector.shape_cast %reduce_sum3A_835 : vector<1024xf32> to vector<1x1024xf32>
      tpu.vector_store %arg7[%swap3A_836, %swap3A_837], %swap3A_840 {strides = array<i32>} : memref<12x1024xf32, #tpu.memory_space<vmem>>, vector<1x1024xf32>,
      %get3A_841 = arith.constant 7 : index
      %get3A_842 = arith.constant 0 : index
      %get3A_843 = arith.constant 0 : index
      %get3A_844 = vector.load %arg2[%get3A_841, %get3A_842, %get3A_843] : memref<12x1024x72xf32, #tpu.memory_space<vmem>>, vector<1x1024x64xf32>
      %get3A_845 = vector.shape_cast %get3A_844 : vector<1x1024x64xf32> to vector<1024x64xf32>
      %mul3A_846 = arith.mulf %get3A_845, %get3A_845 : vector<1024x64xf32>
      %reduce_sum3A_847 = arith.constant dense<0.000000e+00> : vector<1024xf32>
      %reduce_sum3A_848 = vector.multi_reduction <add>, %mul3A_846, %reduce_sum3A_847 [1] : vector<1024x64xf32> to vector<1024xf32>
      %swap3A_849 = arith.constant 7 : index
      %swap3A_850 = arith.constant 0 : index
      %swap3A_851 = vector.load %arg7[%swap3A_849, %swap3A_850] : memref<12x1024xf32, #tpu.memory_space<vmem>>, vector<1x1024xf32>
      %swap3A_852 = vector.shape_cast %swap3A_851 : vector<1x1024xf32> to vector<1024xf32>
      %swap3A_853 = vector.shape_cast %reduce_sum3A_848 : vector<1024xf32> to vector<1x1024xf32>
      tpu.vector_store %arg7[%swap3A_849, %swap3A_850], %swap3A_853 {strides = array<i32>} : memref<12x1024xf32, #tpu.memory_space<vmem>>, vector<1x1024xf32>,
      %get3A_854 = arith.constant 8 : index
      %get3A_855 = arith.constant 0 : index
      %get3A_856 = arith.constant 0 : index
      %get3A_857 = vector.load %arg2[%get3A_854, %get3A_855, %get3A_856] : memref<12x1024x72xf32, #tpu.memory_space<vmem>>, vector<1x1024x64xf32>
      %get3A_858 = vector.shape_cast %get3A_857 : vector<1x1024x64xf32> to vector<1024x64xf32>
      %mul3A_859 = arith.mulf %get3A_858, %get3A_858 : vector<1024x64xf32>
      %reduce_sum3A_860 = arith.constant dense<0.000000e+00> : vector<1024xf32>
      %reduce_sum3A_861 = vector.multi_reduction <add>, %mul3A_859, %reduce_sum3A_860 [1] : vector<1024x64xf32> to vector<1024xf32>
      %swap3A_862 = arith.constant 8 : index
      %swap3A_863 = arith.constant 0 : index
      %swap3A_864 = vector.load %arg7[%swap3A_862, %swap3A_863] : memref<12x1024xf32, #tpu.memory_space<vmem>>, vector<1x1024xf32>
      %swap3A_865 = vector.shape_cast %swap3A_864 : vector<1x1024xf32> to vector<1024xf32>
      %swap3A_866 = vector.shape_cast %reduce_sum3A_861 : vector<1024xf32> to vector<1x1024xf32>
      tpu.vector_store %arg7[%swap3A_862, %swap3A_863], %swap3A_866 {strides = array<i32>} : memref<12x1024xf32, #tpu.memory_space<vmem>>, vector<1x1024xf32>,
      %get3A_867 = arith.constant 9 : index
      %get3A_868 = arith.constant 0 : index
      %get3A_869 = arith.constant 0 : index
      %get3A_870 = vector.load %arg2[%get3A_867, %get3A_868, %get3A_869] : memref<12x1024x72xf32, #tpu.memory_space<vmem>>, vector<1x1024x64xf32>
      %get3A_871 = vector.shape_cast %get3A_870 : vector<1x1024x64xf32> to vector<1024x64xf32>
      %mul3A_872 = arith.mulf %get3A_871, %get3A_871 : vector<1024x64xf32>
      %reduce_sum3A_873 = arith.constant dense<0.000000e+00> : vector<1024xf32>
      %reduce_sum3A_874 = vector.multi_reduction <add>, %mul3A_872, %reduce_sum3A_873 [1] : vector<1024x64xf32> to vector<1024xf32>
      %swap3A_875 = arith.constant 9 : index
      %swap3A_876 = arith.constant 0 : index
      %swap3A_877 = vector.load %arg7[%swap3A_875, %swap3A_876] : memref<12x1024xf32, #tpu.memory_space<vmem>>, vector<1x1024xf32>
      %swap3A_878 = vector.shape_cast %swap3A_877 : vector<1x1024xf32> to vector<1024xf32>
      %swap3A_879 = vector.shape_cast %reduce_sum3A_874 : vector<1024xf32> to vector<1x1024xf32>
      tpu.vector_store %arg7[%swap3A_875, %swap3A_876], %swap3A_879 {strides = array<i32>} : memref<12x1024xf32, #tpu.memory_space<vmem>>, vector<1x1024xf32>,
      %get3A_880 = arith.constant 10 : index
      %get3A_881 = arith.constant 0 : index
      %get3A_882 = arith.constant 0 : index
      %get3A_883 = vector.load %arg2[%get3A_880, %get3A_881, %get3A_882] : memref<12x1024x72xf32, #tpu.memory_space<vmem>>, vector<1x1024x64xf32>
      %get3A_884 = vector.shape_cast %get3A_883 : vector<1x1024x64xf32> to vector<1024x64xf32>
      %mul3A_885 = arith.mulf %get3A_884, %get3A_884 : vector<1024x64xf32>
      %reduce_sum3A_886 = arith.constant dense<0.000000e+00> : vector<1024xf32>
      %reduce_sum3A_887 = vector.multi_reduction <add>, %mul3A_885, %reduce_sum3A_886 [1] : vector<1024x64xf32> to vector<1024xf32>
      %swap3A_888 = arith.constant 10 : index
      %swap3A_889 = arith.constant 0 : index
      %swap3A_890 = vector.load %arg7[%swap3A_888, %swap3A_889] : memref<12x1024xf32, #tpu.memory_space<vmem>>, vector<1x1024xf32>
      %swap3A_891 = vector.shape_cast %swap3A_890 : vector<1x1024xf32> to vector<1024xf32>
      %swap3A_892 = vector.shape_cast %reduce_sum3A_887 : vector<1024xf32> to vector<1x1024xf32>
      tpu.vector_store %arg7[%swap3A_888, %swap3A_889], %swap3A_892 {strides = array<i32>} : memref<12x1024xf32, #tpu.memory_space<vmem>>, vector<1x1024xf32>,
      %get3A_893 = arith.constant 11 : index
      %get3A_894 = arith.constant 0 : index
      %get3A_895 = arith.constant 0 : index
      %get3A_896 = vector.load %arg2[%get3A_893, %get3A_894, %get3A_895] : memref<12x1024x72xf32, #tpu.memory_space<vmem>>, vector<1x1024x64xf32>
      %get3A_897 = vector.shape_cast %get3A_896 : vector<1x1024x64xf32> to vector<1024x64xf32>
      %mul3A_898 = arith.mulf %get3A_897, %get3A_897 : vector<1024x64xf32>
      %reduce_sum3A_899 = arith.constant dense<0.000000e+00> : vector<1024xf32>
      %reduce_sum3A_900 = vector.multi_reduction <add>, %mul3A_898, %reduce_sum3A_899 [1] : vector<1024x64xf32> to vector<1024xf32>
      %swap3A_901 = arith.constant 11 : index
      %swap3A_902 = arith.constant 0 : index
      %swap3A_903 = vector.load %arg7[%swap3A_901, %swap3A_902] : memref<12x1024xf32, #tpu.memory_space<vmem>>, vector<1x1024xf32>
      %swap3A_904 = vector.shape_cast %swap3A_903 : vector<1x1024xf32> to vector<1024xf32>
      %swap3A_905 = vector.shape_cast %reduce_sum3A_900 : vector<1024xf32> to vector<1x1024xf32>
      tpu.vector_store %arg7[%swap3A_901, %swap3A_902], %swap3A_905 {strides = array<i32>} : memref<12x1024xf32, #tpu.memory_space<vmem>>, vector<1x1024xf32>,
    } else {
    }
    %get3A = arith.constant 0 : index
    %get3A_2 = arith.constant 0 : index
    %get3A_3 = vector.load %arg1[%get3A, %get3A_2] : memref<256x768xf32, #tpu.memory_space<vmem>>, vector<256x64xf32>
    %get3A_4 = arith.constant 0 : index
    %get3A_5 = arith.constant 0 : index
    %get3A_6 = arith.constant 0 : index
    %get3A_7 = vector.load %arg2[%get3A_4, %get3A_5, %get3A_6] : memref<12x1024x72xf32, #tpu.memory_space<vmem>>, vector<1x1024x72xf32>
    %get3A_8 = vector.shape_cast %get3A_7 : vector<1x1024x72xf32> to vector<1024x72xf32>
    %mul3A = arith.mulf %get3A_3, %get3A_3 : vector<256x64xf32>
    %reduce_sum3A = arith.constant dense<0.000000e+00> : vector<256xf32>
    %reduce_sum3A_9 = vector.multi_reduction <add>, %mul3A, %reduce_sum3A [1] : vector<256x64xf32> to vector<256xf32>
    %broadcast_in_dim3A = vector.shape_cast %reduce_sum3A_9 : vector<256xf32> to vector<256x1xf32>
    %get3A_10 = arith.constant 0 : index
    %get3A_11 = arith.constant 0 : index
    %get3A_12 = vector.load %arg7[%get3A_10, %get3A_11] : memref<12x1024xf32, #tpu.memory_space<vmem>>, vector<1x1024xf32>
    %get3A_13 = vector.shape_cast %get3A_12 : vector<1x1024xf32> to vector<1024xf32>
    %broadcast_in_dim3A_14 = vector.shape_cast %get3A_13 : vector<1024xf32> to vector<1x1024xf32>
    %add3A = arith.addf %get3A_3, %get3A_3 : vector<256x64xf32>
    %convert_element_type3A_15 = arith.truncf %add3A : vector<256x64xf32> to vector<256x64xbf16>
    %convert_element_type3A_16 = arith.extf %convert_element_type3A_15 : vector<256x64xbf16> to vector<256x64xf32>
    %sub3A = arith.subf %add3A, %convert_element_type3A_16 : vector<256x64xf32>
    %convert_element_type3A_17 = arith.truncf %sub3A : vector<256x64xf32> to vector<256x64xbf16>
    %convert_element_type3A_18 = arith.extf %convert_element_type3A_17 : vector<256x64xbf16> to vector<256x64xf32>
    %sub3A_19 = arith.subf %sub3A, %convert_element_type3A_18 : vector<256x64xf32>
    %convert_element_type3A_20 = arith.truncf %sub3A_19 : vector<256x64xf32> to vector<256x64xbf16>
    %concatenate3A = tpu.concatenate %convert_element_type3A_15, %convert_element_type3A_15, %convert_element_type3A_17, %convert_element_type3A_15, %convert_element_type3A_17, %convert_element_type3A_20, %convert_element_type3A_17, %convert_element_type3A_20 in 1 : vector<256x64xbf16>, vector<256x64xbf16>, vector<256x64xbf16>, vector<256x64xbf16>, vector<256x64xbf16>, vector<256x64xbf16>, vector<256x64xbf16>, vector<256x64xbf16> -> vector<256x512xbf16>
    %get3A_21 = arith.constant 0 : index
    %get3A_22 = arith.constant 0 : index
    %get3A_23 = arith.constant 0 : index
    %get3A_24 = vector.load %arg3[%get3A_21, %get3A_22, %get3A_23] : memref<12x1024x512xbf16, #tpu.memory_space<vmem>>, vector<1x1024x512xbf16>
    %get3A_25 = vector.shape_cast %get3A_24 : vector<1x1024x512xbf16> to vector<1024x512xbf16>
    %dot_general3A = arith.constant dense<0.000000e+00> : vector<256x1024xf32>
    %dot_general3A_26 = tpu.matmul %concatenate3A, %get3A_25, %dot_general3A {dimension_numbers = #tpu.dot_dimension_numbers<[1], [1], [0], [0], [0, 0, 1, 0], [], []>, transpose_lhs_hint = false} : vector<256x512xbf16>, vector<1024x512xbf16>, vector<256x1024xf32> -> vector<256x1024xf32>
    %add3A_27 = vector.broadcast %broadcast_in_dim3A : vector<256x1xf32> to vector<256x1024xf32>
    %add3A_28 = vector.broadcast %broadcast_in_dim3A_14 : vector<1x1024xf32> to vector<256x1024xf32>
    %add3A_29 = arith.addf %add3A_27, %add3A_28 : vector<256x1024xf32>
    %sub3A_30 = arith.subf %add3A_29, %dot_general3A_26 : vector<256x1024xf32>
    %max3A = arith.constant 0.000000e+00 : f32
    %max3A_31 = vector.broadcast %max3A : f32 to vector<256x1024xf32>
    %max3A_32 = arith.maximumf %sub3A_30, %max3A_31 : vector<256x1024xf32>
    %sqrt3A = math.sqrt %max3A_32 : vector<256x1024xf32>
    %neg3A = arith.constant 0.000000e+00 : f32
    %neg3A_33 = vector.broadcast %neg3A : f32 to vector<256x1024xf32>
    %neg3A_34 = arith.subf %neg3A_33, %sqrt3A : vector<256x1024xf32>
    %exp3A = math.exp %neg3A_34 : vector<256x1024xf32>
    %dot_general3A_35 = arith.constant dense<0.000000e+00> : vector<256x72xf32>
    %dot_general3A_36 = tpu.matmul %exp3A, %get3A_8, %dot_general3A_35 {dimension_numbers = #tpu.dot_dimension_numbers<[1], [0], [0], [1], [0, 0, 1, 1], [], []>, transpose_lhs_hint = false} : vector<256x1024xf32>, vector<1024x72xf32>, vector<256x72xf32> -> vector<256x72xf32>
    %slice3A = vector.extract_strided_slice %dot_general3A_36 {offsets = [0, 64], sizes = [256, 1], strides = [1, 1]} : vector<256x72xf32> to vector<256x1xf32>
    %slice3A_37 = vector.extract_strided_slice %dot_general3A_36 {offsets = [0, 0], sizes = [256, 64], strides = [1, 1]} : vector<256x72xf32> to vector<256x64xf32>
    %div3A = arith.constant 1.000000e+00 : f32
    %div3A_38 = vector.broadcast %div3A : f32 to vector<256x1xf32>
    %div3A_39 = arith.divf %div3A_38, %slice3A : vector<256x1xf32>
    %mul3A_40 = vector.broadcast %div3A_39 : vector<256x1xf32> to vector<256x64xf32>
    %mul3A_41 = arith.mulf %slice3A_37, %mul3A_40 : vector<256x64xf32>
    %swap3A = arith.constant 0 : index
    %swap3A_42 = arith.constant 0 : index
    %swap3A_43 = vector.load %arg4[%swap3A, %swap3A_42] : memref<256x768xf32, #tpu.memory_space<vmem>>, vector<256x64xf32>
    tpu.vector_store %arg4[%swap3A, %swap3A_42], %mul3A_41 {strides = array<i32>} : memref<256x768xf32, #tpu.memory_space<vmem>>, vector<256x64xf32>,
    %argmin3A = tpu.reduce_index %sub3A_30 {axis = 1 : i32, kind = #tpu.reduction_kind<arg_min>} : vector<256x1024xf32> -> vector<256xi32>
    %broadcast_in_dim3A_44 = vector.shape_cast %argmin3A : vector<256xi32> to vector<256x1xi32>
    %add3A_45 = arith.constant 0 : i32
    %add3A_46 = vector.broadcast %add3A_45 : i32 to vector<256xi32>
    %add3A_47 = arith.addi %argmin3A, %add3A_46 : vector<256xi32>
    %broadcast_in_dim3A_48 = vector.shape_cast %add3A_47 : vector<256xi32> to vector<256x1xi32>
    %get3A_49 = arith.constant 0 : index
    %get3A_50 = arith.constant 64 : index
    %get3A_51 = vector.load %arg1[%get3A_49, %get3A_50] : memref<256x768xf32, #tpu.memory_space<vmem>>, vector<256x64xf32>
    %get3A_52 = arith.constant 1 : index
    %get3A_53 = arith.constant 0 : index
    %get3A_54 = arith.constant 0 : index
    %get3A_55 = vector.load %arg2[%get3A_52, %get3A_53, %get3A_54] : memref<12x1024x72xf32, #tpu.memory_space<vmem>>, vector<1x1024x72xf32>
    %get3A_56 = vector.shape_cast %get3A_55 : vector<1x1024x72xf32> to vector<1024x72xf32>
    %mul3A_57 = arith.mulf %get3A_51, %get3A_51 : vector<256x64xf32>
    %reduce_sum3A_58 = arith.constant dense<0.000000e+00> : vector<256xf32>
    %reduce_sum3A_59 = vector.multi_reduction <add>, %mul3A_57, %reduce_sum3A_58 [1] : vector<256x64xf32> to vector<256xf32>
    %broadcast_in_dim3A_60 = vector.shape_cast %reduce_sum3A_59 : vector<256xf32> to vector<256x1xf32>
    %get3A_61 = arith.constant 1 : index
    %get3A_62 = arith.constant 0 : index
    %get3A_63 = vector.load %arg7[%get3A_61, %get3A_62] : memref<12x1024xf32, #tpu.memory_space<vmem>>, vector<1x1024xf32>
    %get3A_64 = vector.shape_cast %get3A_63 : vector<1x1024xf32> to vector<1024xf32>
    %broadcast_in_dim3A_65 = vector.shape_cast %get3A_64 : vector<1024xf32> to vector<1x1024xf32>
    %add3A_66 = arith.addf %get3A_51, %get3A_51 : vector<256x64xf32>
    %convert_element_type3A_67 = arith.truncf %add3A_66 : vector<256x64xf32> to vector<256x64xbf16>
    %convert_element_type3A_68 = arith.extf %convert_element_type3A_67 : vector<256x64xbf16> to vector<256x64xf32>
    %sub3A_69 = arith.subf %add3A_66, %convert_element_type3A_68 : vector<256x64xf32>
    %convert_element_type3A_70 = arith.truncf %sub3A_69 : vector<256x64xf32> to vector<256x64xbf16>
    %convert_element_type3A_71 = arith.extf %convert_element_type3A_70 : vector<256x64xbf16> to vector<256x64xf32>
    %sub3A_72 = arith.subf %sub3A_69, %convert_element_type3A_71 : vector<256x64xf32>
    %convert_element_type3A_73 = arith.truncf %sub3A_72 : vector<256x64xf32> to vector<256x64xbf16>
    %concatenate3A_74 = tpu.concatenate %convert_element_type3A_67, %convert_element_type3A_67, %convert_element_type3A_70, %convert_element_type3A_67, %convert_element_type3A_70, %convert_element_type3A_73, %convert_element_type3A_70, %convert_element_type3A_73 in 1 : vector<256x64xbf16>, vector<256x64xbf16>, vector<256x64xbf16>, vector<256x64xbf16>, vector<256x64xbf16>, vector<256x64xbf16>, vector<256x64xbf16>, vector<256x64xbf16> -> vector<256x512xbf16>
    %get3A_75 = arith.constant 1 : index
    %get3A_76 = arith.constant 0 : index
    %get3A_77 = arith.constant 0 : index
    %get3A_78 = vector.load %arg3[%get3A_75, %get3A_76, %get3A_77] : memref<12x1024x512xbf16, #tpu.memory_space<vmem>>, vector<1x1024x512xbf16>
    %get3A_79 = vector.shape_cast %get3A_78 : vector<1x1024x512xbf16> to vector<1024x512xbf16>
    %dot_general3A_80 = arith.constant dense<0.000000e+00> : vector<256x1024xf32>
    %dot_general3A_81 = tpu.matmul %concatenate3A_74, %get3A_79, %dot_general3A_80 {dimension_numbers = #tpu.dot_dimension_numbers<[1], [1], [0], [0], [0, 0, 1, 0], [], []>, transpose_lhs_hint = false} : vector<256x512xbf16>, vector<1024x512xbf16>, vector<256x1024xf32> -> vector<256x1024xf32>
    %add3A_82 = vector.broadcast %broadcast_in_dim3A_60 : vector<256x1xf32> to vector<256x1024xf32>
    %add3A_83 = vector.broadcast %broadcast_in_dim3A_65 : vector<1x1024xf32> to vector<256x1024xf32>
    %add3A_84 = arith.addf %add3A_82, %add3A_83 : vector<256x1024xf32>
    %sub3A_85 = arith.subf %add3A_84, %dot_general3A_81 : vector<256x1024xf32>
    %max3A_86 = arith.constant 0.000000e+00 : f32
    %max3A_87 = vector.broadcast %max3A_86 : f32 to vector<256x1024xf32>
    %max3A_88 = arith.maximumf %sub3A_85, %max3A_87 : vector<256x1024xf32>
    %sqrt3A_89 = math.sqrt %max3A_88 : vector<256x1024xf32>
    %neg3A_90 = arith.constant 0.000000e+00 : f32
    %neg3A_91 = vector.broadcast %neg3A_90 : f32 to vector<256x1024xf32>
    %neg3A_92 = arith.subf %neg3A_91, %sqrt3A_89 : vector<256x1024xf32>
    %exp3A_93 = math.exp %neg3A_92 : vector<256x1024xf32>
    %dot_general3A_94 = arith.constant dense<0.000000e+00> : vector<256x72xf32>
    %dot_general3A_95 = tpu.matmul %exp3A_93, %get3A_56, %dot_general3A_94 {dimension_numbers = #tpu.dot_dimension_numbers<[1], [0], [0], [1], [0, 0, 1, 1], [], []>, transpose_lhs_hint = false} : vector<256x1024xf32>, vector<1024x72xf32>, vector<256x72xf32> -> vector<256x72xf32>
    %slice3A_96 = vector.extract_strided_slice %dot_general3A_95 {offsets = [0, 64], sizes = [256, 1], strides = [1, 1]} : vector<256x72xf32> to vector<256x1xf32>
    %slice3A_97 = vector.extract_strided_slice %dot_general3A_95 {offsets = [0, 0], sizes = [256, 64], strides = [1, 1]} : vector<256x72xf32> to vector<256x64xf32>
    %div3A_98 = arith.constant 1.000000e+00 : f32
    %div3A_99 = vector.broadcast %div3A_98 : f32 to vector<256x1xf32>
    %div3A_100 = arith.divf %div3A_99, %slice3A_96 : vector<256x1xf32>
    %mul3A_101 = vector.broadcast %div3A_100 : vector<256x1xf32> to vector<256x64xf32>
    %mul3A_102 = arith.mulf %slice3A_97, %mul3A_101 : vector<256x64xf32>
    %swap3A_103 = arith.constant 0 : index
    %swap3A_104 = arith.constant 64 : index
    %swap3A_105 = vector.load %arg4[%swap3A_103, %swap3A_104] : memref<256x768xf32, #tpu.memory_space<vmem>>, vector<256x64xf32>
    tpu.vector_store %arg4[%swap3A_103, %swap3A_104], %mul3A_102 {strides = array<i32>} : memref<256x768xf32, #tpu.memory_space<vmem>>, vector<256x64xf32>,
    %argmin3A_106 = tpu.reduce_index %sub3A_85 {axis = 1 : i32, kind = #tpu.reduction_kind<arg_min>} : vector<256x1024xf32> -> vector<256xi32>
    %broadcast_in_dim3A_107 = vector.shape_cast %argmin3A_106 : vector<256xi32> to vector<256x1xi32>
    %add3A_108 = arith.constant 1024 : i32
    %add3A_109 = vector.broadcast %add3A_108 : i32 to vector<256xi32>
    %add3A_110 = arith.addi %argmin3A_106, %add3A_109 : vector<256xi32>
    %broadcast_in_dim3A_111 = vector.shape_cast %add3A_110 : vector<256xi32> to vector<256x1xi32>
    %get3A_112 = arith.constant 0 : index
    %get3A_113 = arith.constant 128 : index
    %get3A_114 = vector.load %arg1[%get3A_112, %get3A_113] : memref<256x768xf32, #tpu.memory_space<vmem>>, vector<256x64xf32>
    %get3A_115 = arith.constant 2 : index
    %get3A_116 = arith.constant 0 : index
    %get3A_117 = arith.constant 0 : index
    %get3A_118 = vector.load %arg2[%get3A_115, %get3A_116, %get3A_117] : memref<12x1024x72xf32, #tpu.memory_space<vmem>>, vector<1x1024x72xf32>
    %get3A_119 = vector.shape_cast %get3A_118 : vector<1x1024x72xf32> to vector<1024x72xf32>
    %mul3A_120 = arith.mulf %get3A_114, %get3A_114 : vector<256x64xf32>
    %reduce_sum3A_121 = arith.constant dense<0.000000e+00> : vector<256xf32>
    %reduce_sum3A_122 = vector.multi_reduction <add>, %mul3A_120, %reduce_sum3A_121 [1] : vector<256x64xf32> to vector<256xf32>
    %broadcast_in_dim3A_123 = vector.shape_cast %reduce_sum3A_122 : vector<256xf32> to vector<256x1xf32>
    %get3A_124 = arith.constant 2 : index
    %get3A_125 = arith.constant 0 : index
    %get3A_126 = vector.load %arg7[%get3A_124, %get3A_125] : memref<12x1024xf32, #tpu.memory_space<vmem>>, vector<1x1024xf32>
    %get3A_127 = vector.shape_cast %get3A_126 : vector<1x1024xf32> to vector<1024xf32>
    %broadcast_in_dim3A_128 = vector.shape_cast %get3A_127 : vector<1024xf32> to vector<1x1024xf32>
    %add3A_129 = arith.addf %get3A_114, %get3A_114 : vector<256x64xf32>
    %convert_element_type3A_130 = arith.truncf %add3A_129 : vector<256x64xf32> to vector<256x64xbf16>
    %convert_element_type3A_131 = arith.extf %convert_element_type3A_130 : vector<256x64xbf16> to vector<256x64xf32>
    %sub3A_132 = arith.subf %add3A_129, %convert_element_type3A_131 : vector<256x64xf32>
    %convert_element_type3A_133 = arith.truncf %sub3A_132 : vector<256x64xf32> to vector<256x64xbf16>
    %convert_element_type3A_134 = arith.extf %convert_element_type3A_133 : vector<256x64xbf16> to vector<256x64xf32>
    %sub3A_135 = arith.subf %sub3A_132, %convert_element_type3A_134 : vector<256x64xf32>
    %convert_element_type3A_136 = arith.truncf %sub3A_135 : vector<256x64xf32> to vector<256x64xbf16>
    %concatenate3A_137 = tpu.concatenate %convert_element_type3A_130, %convert_element_type3A_130, %convert_element_type3A_133, %convert_element_type3A_130, %convert_element_type3A_133, %convert_element_type3A_136, %convert_element_type3A_133, %convert_element_type3A_136 in 1 : vector<256x64xbf16>, vector<256x64xbf16>, vector<256x64xbf16>, vector<256x64xbf16>, vector<256x64xbf16>, vector<256x64xbf16>, vector<256x64xbf16>, vector<256x64xbf16> -> vector<256x512xbf16>
    %get3A_138 = arith.constant 2 : index
    %get3A_139 = arith.constant 0 : index
    %get3A_140 = arith.constant 0 : index
    %get3A_141 = vector.load %arg3[%get3A_138, %get3A_139, %get3A_140] : memref<12x1024x512xbf16, #tpu.memory_space<vmem>>, vector<1x1024x512xbf16>
    %get3A_142 = vector.shape_cast %get3A_141 : vector<1x1024x512xbf16> to vector<1024x512xbf16>
    %dot_general3A_143 = arith.constant dense<0.000000e+00> : vector<256x1024xf32>
    %dot_general3A_144 = tpu.matmul %concatenate3A_137, %get3A_142, %dot_general3A_143 {dimension_numbers = #tpu.dot_dimension_numbers<[1], [1], [0], [0], [0, 0, 1, 0], [], []>, transpose_lhs_hint = false} : vector<256x512xbf16>, vector<1024x512xbf16>, vector<256x1024xf32> -> vector<256x1024xf32>
    %add3A_145 = vector.broadcast %broadcast_in_dim3A_123 : vector<256x1xf32> to vector<256x1024xf32>
    %add3A_146 = vector.broadcast %broadcast_in_dim3A_128 : vector<1x1024xf32> to vector<256x1024xf32>
    %add3A_147 = arith.addf %add3A_145, %add3A_146 : vector<256x1024xf32>
    %sub3A_148 = arith.subf %add3A_147, %dot_general3A_144 : vector<256x1024xf32>
    %max3A_149 = arith.constant 0.000000e+00 : f32
    %max3A_150 = vector.broadcast %max3A_149 : f32 to vector<256x1024xf32>
    %max3A_151 = arith.maximumf %sub3A_148, %max3A_150 : vector<256x1024xf32>
    %sqrt3A_152 = math.sqrt %max3A_151 : vector<256x1024xf32>
    %neg3A_153 = arith.constant 0.000000e+00 : f32
    %neg3A_154 = vector.broadcast %neg3A_153 : f32 to vector<256x1024xf32>
    %neg3A_155 = arith.subf %neg3A_154, %sqrt3A_152 : vector<256x1024xf32>
    %exp3A_156 = math.exp %neg3A_155 : vector<256x1024xf32>
    %dot_general3A_157 = arith.constant dense<0.000000e+00> : vector<256x72xf32>
    %dot_general3A_158 = tpu.matmul %exp3A_156, %get3A_119, %dot_general3A_157 {dimension_numbers = #tpu.dot_dimension_numbers<[1], [0], [0], [1], [0, 0, 1, 1], [], []>, transpose_lhs_hint = false} : vector<256x1024xf32>, vector<1024x72xf32>, vector<256x72xf32> -> vector<256x72xf32>
    %slice3A_159 = vector.extract_strided_slice %dot_general3A_158 {offsets = [0, 64], sizes = [256, 1], strides = [1, 1]} : vector<256x72xf32> to vector<256x1xf32>
    %slice3A_160 = vector.extract_strided_slice %dot_general3A_158 {offsets = [0, 0], sizes = [256, 64], strides = [1, 1]} : vector<256x72xf32> to vector<256x64xf32>
    %div3A_161 = arith.constant 1.000000e+00 : f32
    %div3A_162 = vector.broadcast %div3A_161 : f32 to vector<256x1xf32>
    %div3A_163 = arith.divf %div3A_162, %slice3A_159 : vector<256x1xf32>
    %mul3A_164 = vector.broadcast %div3A_163 : vector<256x1xf32> to vector<256x64xf32>
    %mul3A_165 = arith.mulf %slice3A_160, %mul3A_164 : vector<256x64xf32>
    %swap3A_166 = arith.constant 0 : index
    %swap3A_167 = arith.constant 128 : index
    %swap3A_168 = vector.load %arg4[%swap3A_166, %swap3A_167] : memref<256x768xf32, #tpu.memory_space<vmem>>, vector<256x64xf32>
    tpu.vector_store %arg4[%swap3A_166, %swap3A_167], %mul3A_165 {strides = array<i32>} : memref<256x768xf32, #tpu.memory_space<vmem>>, vector<256x64xf32>,
    %argmin3A_169 = tpu.reduce_index %sub3A_148 {axis = 1 : i32, kind = #tpu.reduction_kind<arg_min>} : vector<256x1024xf32> -> vector<256xi32>
    %broadcast_in_dim3A_170 = vector.shape_cast %argmin3A_169 : vector<256xi32> to vector<256x1xi32>
    %add3A_171 = arith.constant 2048 : i32
    %add3A_172 = vector.broadcast %add3A_171 : i32 to vector<256xi32>
    %add3A_173 = arith.addi %argmin3A_169, %add3A_172 : vector<256xi32>
    %broadcast_in_dim3A_174 = vector.shape_cast %add3A_173 : vector<256xi32> to vector<256x1xi32>
    %get3A_175 = arith.constant 0 : index
    %get3A_176 = arith.constant 192 : index
    %get3A_177 = vector.load %arg1[%get3A_175, %get3A_176] : memref<256x768xf32, #tpu.memory_space<vmem>>, vector<256x64xf32>
    %get3A_178 = arith.constant 3 : index
    %get3A_179 = arith.constant 0 : index
    %get3A_180 = arith.constant 0 : index
    %get3A_181 = vector.load %arg2[%get3A_178, %get3A_179, %get3A_180] : memref<12x1024x72xf32, #tpu.memory_space<vmem>>, vector<1x1024x72xf32>
    %get3A_182 = vector.shape_cast %get3A_181 : vector<1x1024x72xf32> to vector<1024x72xf32>
    %mul3A_183 = arith.mulf %get3A_177, %get3A_177 : vector<256x64xf32>
    %reduce_sum3A_184 = arith.constant dense<0.000000e+00> : vector<256xf32>
    %reduce_sum3A_185 = vector.multi_reduction <add>, %mul3A_183, %reduce_sum3A_184 [1] : vector<256x64xf32> to vector<256xf32>
    %broadcast_in_dim3A_186 = vector.shape_cast %reduce_sum3A_185 : vector<256xf32> to vector<256x1xf32>
    %get3A_187 = arith.constant 3 : index
    %get3A_188 = arith.constant 0 : index
    %get3A_189 = vector.load %arg7[%get3A_187, %get3A_188] : memref<12x1024xf32, #tpu.memory_space<vmem>>, vector<1x1024xf32>
    %get3A_190 = vector.shape_cast %get3A_189 : vector<1x1024xf32> to vector<1024xf32>
    %broadcast_in_dim3A_191 = vector.shape_cast %get3A_190 : vector<1024xf32> to vector<1x1024xf32>
    %add3A_192 = arith.addf %get3A_177, %get3A_177 : vector<256x64xf32>
    %convert_element_type3A_193 = arith.truncf %add3A_192 : vector<256x64xf32> to vector<256x64xbf16>
    %convert_element_type3A_194 = arith.extf %convert_element_type3A_193 : vector<256x64xbf16> to vector<256x64xf32>
    %sub3A_195 = arith.subf %add3A_192, %convert_element_type3A_194 : vector<256x64xf32>
    %convert_element_type3A_196 = arith.truncf %sub3A_195 : vector<256x64xf32> to vector<256x64xbf16>
    %convert_element_type3A_197 = arith.extf %convert_element_type3A_196 : vector<256x64xbf16> to vector<256x64xf32>
    %sub3A_198 = arith.subf %sub3A_195, %convert_element_type3A_197 : vector<256x64xf32>
    %convert_element_type3A_199 = arith.truncf %sub3A_198 : vector<256x64xf32> to vector<256x64xbf16>
    %concatenate3A_200 = tpu.concatenate %convert_element_type3A_193, %convert_element_type3A_193, %convert_element_type3A_196, %convert_element_type3A_193, %convert_element_type3A_196, %convert_element_type3A_199, %convert_element_type3A_196, %convert_element_type3A_199 in 1 : vector<256x64xbf16>, vector<256x64xbf16>, vector<256x64xbf16>, vector<256x64xbf16>, vector<256x64xbf16>, vector<256x64xbf16>, vector<256x64xbf16>, vector<256x64xbf16> -> vector<256x512xbf16>
    %get3A_201 = arith.constant 3 : index
    %get3A_202 = arith.constant 0 : index
    %get3A_203 = arith.constant 0 : index
    %get3A_204 = vector.load %arg3[%get3A_201, %get3A_202, %get3A_203] : memref<12x1024x512xbf16, #tpu.memory_space<vmem>>, vector<1x1024x512xbf16>
    %get3A_205 = vector.shape_cast %get3A_204 : vector<1x1024x512xbf16> to vector<1024x512xbf16>
    %dot_general3A_206 = arith.constant dense<0.000000e+00> : vector<256x1024xf32>
    %dot_general3A_207 = tpu.matmul %concatenate3A_200, %get3A_205, %dot_general3A_206 {dimension_numbers = #tpu.dot_dimension_numbers<[1], [1], [0], [0], [0, 0, 1, 0], [], []>, transpose_lhs_hint = false} : vector<256x512xbf16>, vector<1024x512xbf16>, vector<256x1024xf32> -> vector<256x1024xf32>
    %add3A_208 = vector.broadcast %broadcast_in_dim3A_186 : vector<256x1xf32> to vector<256x1024xf32>
    %add3A_209 = vector.broadcast %broadcast_in_dim3A_191 : vector<1x1024xf32> to vector<256x1024xf32>
    %add3A_210 = arith.addf %add3A_208, %add3A_209 : vector<256x1024xf32>
    %sub3A_211 = arith.subf %add3A_210, %dot_general3A_207 : vector<256x1024xf32>
    %max3A_212 = arith.constant 0.000000e+00 : f32
    %max3A_213 = vector.broadcast %max3A_212 : f32 to vector<256x1024xf32>
    %max3A_214 = arith.maximumf %sub3A_211, %max3A_213 : vector<256x1024xf32>
    %sqrt3A_215 = math.sqrt %max3A_214 : vector<256x1024xf32>
    %neg3A_216 = arith.constant 0.000000e+00 : f32
    %neg3A_217 = vector.broadcast %neg3A_216 : f32 to vector<256x1024xf32>
    %neg3A_218 = arith.subf %neg3A_217, %sqrt3A_215 : vector<256x1024xf32>
    %exp3A_219 = math.exp %neg3A_218 : vector<256x1024xf32>
    %dot_general3A_220 = arith.constant dense<0.000000e+00> : vector<256x72xf32>
    %dot_general3A_221 = tpu.matmul %exp3A_219, %get3A_182, %dot_general3A_220 {dimension_numbers = #tpu.dot_dimension_numbers<[1], [0], [0], [1], [0, 0, 1, 1], [], []>, transpose_lhs_hint = false} : vector<256x1024xf32>, vector<1024x72xf32>, vector<256x72xf32> -> vector<256x72xf32>
    %slice3A_222 = vector.extract_strided_slice %dot_general3A_221 {offsets = [0, 64], sizes = [256, 1], strides = [1, 1]} : vector<256x72xf32> to vector<256x1xf32>
    %slice3A_223 = vector.extract_strided_slice %dot_general3A_221 {offsets = [0, 0], sizes = [256, 64], strides = [1, 1]} : vector<256x72xf32> to vector<256x64xf32>
    %div3A_224 = arith.constant 1.000000e+00 : f32
    %div3A_225 = vector.broadcast %div3A_224 : f32 to vector<256x1xf32>
    %div3A_226 = arith.divf %div3A_225, %slice3A_222 : vector<256x1xf32>
    %mul3A_227 = vector.broadcast %div3A_226 : vector<256x1xf32> to vector<256x64xf32>
    %mul3A_228 = arith.mulf %slice3A_223, %mul3A_227 : vector<256x64xf32>
    %swap3A_229 = arith.constant 0 : index
    %swap3A_230 = arith.constant 192 : index
    %swap3A_231 = vector.load %arg4[%swap3A_229, %swap3A_230] : memref<256x768xf32, #tpu.memory_space<vmem>>, vector<256x64xf32>
    tpu.vector_store %arg4[%swap3A_229, %swap3A_230], %mul3A_228 {strides = array<i32>} : memref<256x768xf32, #tpu.memory_space<vmem>>, vector<256x64xf32>,
    %argmin3A_232 = tpu.reduce_index %sub3A_211 {axis = 1 : i32, kind = #tpu.reduction_kind<arg_min>} : vector<256x1024xf32> -> vector<256xi32>
    %broadcast_in_dim3A_233 = vector.shape_cast %argmin3A_232 : vector<256xi32> to vector<256x1xi32>
    %add3A_234 = arith.constant 3072 : i32
    %add3A_235 = vector.broadcast %add3A_234 : i32 to vector<256xi32>
    %add3A_236 = arith.addi %argmin3A_232, %add3A_235 : vector<256xi32>
    %broadcast_in_dim3A_237 = vector.shape_cast %add3A_236 : vector<256xi32> to vector<256x1xi32>
    %get3A_238 = arith.constant 0 : index
    %get3A_239 = arith.constant 256 : index
    %get3A_240 = vector.load %arg1[%get3A_238, %get3A_239] : memref<256x768xf32, #tpu.memory_space<vmem>>, vector<256x64xf32>
    %get3A_241 = arith.constant 4 : index
    %get3A_242 = arith.constant 0 : index
    %get3A_243 = arith.constant 0 : index
    %get3A_244 = vector.load %arg2[%get3A_241, %get3A_242, %get3A_243] : memref<12x1024x72xf32, #tpu.memory_space<vmem>>, vector<1x1024x72xf32>
    %get3A_245 = vector.shape_cast %get3A_244 : vector<1x1024x72xf32> to vector<1024x72xf32>
    %mul3A_246 = arith.mulf %get3A_240, %get3A_240 : vector<256x64xf32>
    %reduce_sum3A_247 = arith.constant dense<0.000000e+00> : vector<256xf32>
    %reduce_sum3A_248 = vector.multi_reduction <add>, %mul3A_246, %reduce_sum3A_247 [1] : vector<256x64xf32> to vector<256xf32>
    %broadcast_in_dim3A_249 = vector.shape_cast %reduce_sum3A_248 : vector<256xf32> to vector<256x1xf32>
    %get3A_250 = arith.constant 4 : index
    %get3A_251 = arith.constant 0 : index
    %get3A_252 = vector.load %arg7[%get3A_250, %get3A_251] : memref<12x1024xf32, #tpu.memory_space<vmem>>, vector<1x1024xf32>
    %get3A_253 = vector.shape_cast %get3A_252 : vector<1x1024xf32> to vector<1024xf32>
    %broadcast_in_dim3A_254 = vector.shape_cast %get3A_253 : vector<1024xf32> to vector<1x1024xf32>
    %add3A_255 = arith.addf %get3A_240, %get3A_240 : vector<256x64xf32>
    %convert_element_type3A_256 = arith.truncf %add3A_255 : vector<256x64xf32> to vector<256x64xbf16>
    %convert_element_type3A_257 = arith.extf %convert_element_type3A_256 : vector<256x64xbf16> to vector<256x64xf32>
    %sub3A_258 = arith.subf %add3A_255, %convert_element_type3A_257 : vector<256x64xf32>
    %convert_element_type3A_259 = arith.truncf %sub3A_258 : vector<256x64xf32> to vector<256x64xbf16>
    %convert_element_type3A_260 = arith.extf %convert_element_type3A_259 : vector<256x64xbf16> to vector<256x64xf32>
    %sub3A_261 = arith.subf %sub3A_258, %convert_element_type3A_260 : vector<256x64xf32>
    %convert_element_type3A_262 = arith.truncf %sub3A_261 : vector<256x64xf32> to vector<256x64xbf16>
    %concatenate3A_263 = tpu.concatenate %convert_element_type3A_256, %convert_element_type3A_256, %convert_element_type3A_259, %convert_element_type3A_256, %convert_element_type3A_259, %convert_element_type3A_262, %convert_element_type3A_259, %convert_element_type3A_262 in 1 : vector<256x64xbf16>, vector<256x64xbf16>, vector<256x64xbf16>, vector<256x64xbf16>, vector<256x64xbf16>, vector<256x64xbf16>, vector<256x64xbf16>, vector<256x64xbf16> -> vector<256x512xbf16>
    %get3A_264 = arith.constant 4 : index
    %get3A_265 = arith.constant 0 : index
    %get3A_266 = arith.constant 0 : index
    %get3A_267 = vector.load %arg3[%get3A_264, %get3A_265, %get3A_266] : memref<12x1024x512xbf16, #tpu.memory_space<vmem>>, vector<1x1024x512xbf16>
    %get3A_268 = vector.shape_cast %get3A_267 : vector<1x1024x512xbf16> to vector<1024x512xbf16>
    %dot_general3A_269 = arith.constant dense<0.000000e+00> : vector<256x1024xf32>
    %dot_general3A_270 = tpu.matmul %concatenate3A_263, %get3A_268, %dot_general3A_269 {dimension_numbers = #tpu.dot_dimension_numbers<[1], [1], [0], [0], [0, 0, 1, 0], [], []>, transpose_lhs_hint = false} : vector<256x512xbf16>, vector<1024x512xbf16>, vector<256x1024xf32> -> vector<256x1024xf32>
    %add3A_271 = vector.broadcast %broadcast_in_dim3A_249 : vector<256x1xf32> to vector<256x1024xf32>
    %add3A_272 = vector.broadcast %broadcast_in_dim3A_254 : vector<1x1024xf32> to vector<256x1024xf32>
    %add3A_273 = arith.addf %add3A_271, %add3A_272 : vector<256x1024xf32>
    %sub3A_274 = arith.subf %add3A_273, %dot_general3A_270 : vector<256x1024xf32>
    %max3A_275 = arith.constant 0.000000e+00 : f32
    %max3A_276 = vector.broadcast %max3A_275 : f32 to vector<256x1024xf32>
    %max3A_277 = arith.maximumf %sub3A_274, %max3A_276 : vector<256x1024xf32>
    %sqrt3A_278 = math.sqrt %max3A_277 : vector<256x1024xf32>
    %neg3A_279 = arith.constant 0.000000e+00 : f32
    %neg3A_280 = vector.broadcast %neg3A_279 : f32 to vector<256x1024xf32>
    %neg3A_281 = arith.subf %neg3A_280, %sqrt3A_278 : vector<256x1024xf32>
    %exp3A_282 = math.exp %neg3A_281 : vector<256x1024xf32>
    %dot_general3A_283 = arith.constant dense<0.000000e+00> : vector<256x72xf32>
    %dot_general3A_284 = tpu.matmul %exp3A_282, %get3A_245, %dot_general3A_283 {dimension_numbers = #tpu.dot_dimension_numbers<[1], [0], [0], [1], [0, 0, 1, 1], [], []>, transpose_lhs_hint = false} : vector<256x1024xf32>, vector<1024x72xf32>, vector<256x72xf32> -> vector<256x72xf32>
    %slice3A_285 = vector.extract_strided_slice %dot_general3A_284 {offsets = [0, 64], sizes = [256, 1], strides = [1, 1]} : vector<256x72xf32> to vector<256x1xf32>
    %slice3A_286 = vector.extract_strided_slice %dot_general3A_284 {offsets = [0, 0], sizes = [256, 64], strides = [1, 1]} : vector<256x72xf32> to vector<256x64xf32>
    %div3A_287 = arith.constant 1.000000e+00 : f32
    %div3A_288 = vector.broadcast %div3A_287 : f32 to vector<256x1xf32>
    %div3A_289 = arith.divf %div3A_288, %slice3A_285 : vector<256x1xf32>
    %mul3A_290 = vector.broadcast %div3A_289 : vector<256x1xf32> to vector<256x64xf32>
    %mul3A_291 = arith.mulf %slice3A_286, %mul3A_290 : vector<256x64xf32>
    %swap3A_292 = arith.constant 0 : index
    %swap3A_293 = arith.constant 256 : index
    %swap3A_294 = vector.load %arg4[%swap3A_292, %swap3A_293] : memref<256x768xf32, #tpu.memory_space<vmem>>, vector<256x64xf32>
    tpu.vector_store %arg4[%swap3A_292, %swap3A_293], %mul3A_291 {strides = array<i32>} : memref<256x768xf32, #tpu.memory_space<vmem>>, vector<256x64xf32>,
    %argmin3A_295 = tpu.reduce_index %sub3A_274 {axis = 1 : i32, kind = #tpu.reduction_kind<arg_min>} : vector<256x1024xf32> -> vector<256xi32>
    %broadcast_in_dim3A_296 = vector.shape_cast %argmin3A_295 : vector<256xi32> to vector<256x1xi32>
    %add3A_297 = arith.constant 4096 : i32
    %add3A_298 = vector.broadcast %add3A_297 : i32 to vector<256xi32>
    %add3A_299 = arith.addi %argmin3A_295, %add3A_298 : vector<256xi32>
    %broadcast_in_dim3A_300 = vector.shape_cast %add3A_299 : vector<256xi32> to vector<256x1xi32>
    %get3A_301 = arith.constant 0 : index
    %get3A_302 = arith.constant 320 : index
    %get3A_303 = vector.load %arg1[%get3A_301, %get3A_302] : memref<256x768xf32, #tpu.memory_space<vmem>>, vector<256x64xf32>
    %get3A_304 = arith.constant 5 : index
    %get3A_305 = arith.constant 0 : index
    %get3A_306 = arith.constant 0 : index
    %get3A_307 = vector.load %arg2[%get3A_304, %get3A_305, %get3A_306] : memref<12x1024x72xf32, #tpu.memory_space<vmem>>, vector<1x1024x72xf32>
    %get3A_308 = vector.shape_cast %get3A_307 : vector<1x1024x72xf32> to vector<1024x72xf32>
    %mul3A_309 = arith.mulf %get3A_303, %get3A_303 : vector<256x64xf32>
    %reduce_sum3A_310 = arith.constant dense<0.000000e+00> : vector<256xf32>
    %reduce_sum3A_311 = vector.multi_reduction <add>, %mul3A_309, %reduce_sum3A_310 [1] : vector<256x64xf32> to vector<256xf32>
    %broadcast_in_dim3A_312 = vector.shape_cast %reduce_sum3A_311 : vector<256xf32> to vector<256x1xf32>
    %get3A_313 = arith.constant 5 : index
    %get3A_314 = arith.constant 0 : index
    %get3A_315 = vector.load %arg7[%get3A_313, %get3A_314] : memref<12x1024xf32, #tpu.memory_space<vmem>>, vector<1x1024xf32>
    %get3A_316 = vector.shape_cast %get3A_315 : vector<1x1024xf32> to vector<1024xf32>
    %broadcast_in_dim3A_317 = vector.shape_cast %get3A_316 : vector<1024xf32> to vector<1x1024xf32>
    %add3A_318 = arith.addf %get3A_303, %get3A_303 : vector<256x64xf32>
    %convert_element_type3A_319 = arith.truncf %add3A_318 : vector<256x64xf32> to vector<256x64xbf16>
    %convert_element_type3A_320 = arith.extf %convert_element_type3A_319 : vector<256x64xbf16> to vector<256x64xf32>
    %sub3A_321 = arith.subf %add3A_318, %convert_element_type3A_320 : vector<256x64xf32>
    %convert_element_type3A_322 = arith.truncf %sub3A_321 : vector<256x64xf32> to vector<256x64xbf16>
    %convert_element_type3A_323 = arith.extf %convert_element_type3A_322 : vector<256x64xbf16> to vector<256x64xf32>
    %sub3A_324 = arith.subf %sub3A_321, %convert_element_type3A_323 : vector<256x64xf32>
    %convert_element_type3A_325 = arith.truncf %sub3A_324 : vector<256x64xf32> to vector<256x64xbf16>
    %concatenate3A_326 = tpu.concatenate %convert_element_type3A_319, %convert_element_type3A_319, %convert_element_type3A_322, %convert_element_type3A_319, %convert_element_type3A_322, %convert_element_type3A_325, %convert_element_type3A_322, %convert_element_type3A_325 in 1 : vector<256x64xbf16>, vector<256x64xbf16>, vector<256x64xbf16>, vector<256x64xbf16>, vector<256x64xbf16>, vector<256x64xbf16>, vector<256x64xbf16>, vector<256x64xbf16> -> vector<256x512xbf16>
    %get3A_327 = arith.constant 5 : index
    %get3A_328 = arith.constant 0 : index
    %get3A_329 = arith.constant 0 : index
    %get3A_330 = vector.load %arg3[%get3A_327, %get3A_328, %get3A_329] : memref<12x1024x512xbf16, #tpu.memory_space<vmem>>, vector<1x1024x512xbf16>
    %get3A_331 = vector.shape_cast %get3A_330 : vector<1x1024x512xbf16> to vector<1024x512xbf16>
    %dot_general3A_332 = arith.constant dense<0.000000e+00> : vector<256x1024xf32>
    %dot_general3A_333 = tpu.matmul %concatenate3A_326, %get3A_331, %dot_general3A_332 {dimension_numbers = #tpu.dot_dimension_numbers<[1], [1], [0], [0], [0, 0, 1, 0], [], []>, transpose_lhs_hint = false} : vector<256x512xbf16>, vector<1024x512xbf16>, vector<256x1024xf32> -> vector<256x1024xf32>
    %add3A_334 = vector.broadcast %broadcast_in_dim3A_312 : vector<256x1xf32> to vector<256x1024xf32>
    %add3A_335 = vector.broadcast %broadcast_in_dim3A_317 : vector<1x1024xf32> to vector<256x1024xf32>
    %add3A_336 = arith.addf %add3A_334, %add3A_335 : vector<256x1024xf32>
    %sub3A_337 = arith.subf %add3A_336, %dot_general3A_333 : vector<256x1024xf32>
    %max3A_338 = arith.constant 0.000000e+00 : f32
    %max3A_339 = vector.broadcast %max3A_338 : f32 to vector<256x1024xf32>
    %max3A_340 = arith.maximumf %sub3A_337, %max3A_339 : vector<256x1024xf32>
    %sqrt3A_341 = math.sqrt %max3A_340 : vector<256x1024xf32>
    %neg3A_342 = arith.constant 0.000000e+00 : f32
    %neg3A_343 = vector.broadcast %neg3A_342 : f32 to vector<256x1024xf32>
    %neg3A_344 = arith.subf %neg3A_343, %sqrt3A_341 : vector<256x1024xf32>
    %exp3A_345 = math.exp %neg3A_344 : vector<256x1024xf32>
    %dot_general3A_346 = arith.constant dense<0.000000e+00> : vector<256x72xf32>
    %dot_general3A_347 = tpu.matmul %exp3A_345, %get3A_308, %dot_general3A_346 {dimension_numbers = #tpu.dot_dimension_numbers<[1], [0], [0], [1], [0, 0, 1, 1], [], []>, transpose_lhs_hint = false} : vector<256x1024xf32>, vector<1024x72xf32>, vector<256x72xf32> -> vector<256x72xf32>
    %slice3A_348 = vector.extract_strided_slice %dot_general3A_347 {offsets = [0, 64], sizes = [256, 1], strides = [1, 1]} : vector<256x72xf32> to vector<256x1xf32>
    %slice3A_349 = vector.extract_strided_slice %dot_general3A_347 {offsets = [0, 0], sizes = [256, 64], strides = [1, 1]} : vector<256x72xf32> to vector<256x64xf32>
    %div3A_350 = arith.constant 1.000000e+00 : f32
    %div3A_351 = vector.broadcast %div3A_350 : f32 to vector<256x1xf32>
    %div3A_352 = arith.divf %div3A_351, %slice3A_348 : vector<256x1xf32>
    %mul3A_353 = vector.broadcast %div3A_352 : vector<256x1xf32> to vector<256x64xf32>
    %mul3A_354 = arith.mulf %slice3A_349, %mul3A_353 : vector<256x64xf32>
    %swap3A_355 = arith.constant 0 : index
    %swap3A_356 = arith.constant 320 : index
    %swap3A_357 = vector.load %arg4[%swap3A_355, %swap3A_356] : memref<256x768xf32, #tpu.memory_space<vmem>>, vector<256x64xf32>
    tpu.vector_store %arg4[%swap3A_355, %swap3A_356], %mul3A_354 {strides = array<i32>} : memref<256x768xf32, #tpu.memory_space<vmem>>, vector<256x64xf32>,
    %argmin3A_358 = tpu.reduce_index %sub3A_337 {axis = 1 : i32, kind = #tpu.reduction_kind<arg_min>} : vector<256x1024xf32> -> vector<256xi32>
    %broadcast_in_dim3A_359 = vector.shape_cast %argmin3A_358 : vector<256xi32> to vector<256x1xi32>
    %add3A_360 = arith.constant 5120 : i32
    %add3A_361 = vector.broadcast %add3A_360 : i32 to vector<256xi32>
    %add3A_362 = arith.addi %argmin3A_358, %add3A_361 : vector<256xi32>
    %broadcast_in_dim3A_363 = vector.shape_cast %add3A_362 : vector<256xi32> to vector<256x1xi32>
    %get3A_364 = arith.constant 0 : index
    %get3A_365 = arith.constant 384 : index
    %get3A_366 = vector.load %arg1[%get3A_364, %get3A_365] : memref<256x768xf32, #tpu.memory_space<vmem>>, vector<256x64xf32>
    %get3A_367 = arith.constant 6 : index
    %get3A_368 = arith.constant 0 : index
    %get3A_369 = arith.constant 0 : index
    %get3A_370 = vector.load %arg2[%get3A_367, %get3A_368, %get3A_369] : memref<12x1024x72xf32, #tpu.memory_space<vmem>>, vector<1x1024x72xf32>
    %get3A_371 = vector.shape_cast %get3A_370 : vector<1x1024x72xf32> to vector<1024x72xf32>
    %mul3A_372 = arith.mulf %get3A_366, %get3A_366 : vector<256x64xf32>
    %reduce_sum3A_373 = arith.constant dense<0.000000e+00> : vector<256xf32>
    %reduce_sum3A_374 = vector.multi_reduction <add>, %mul3A_372, %reduce_sum3A_373 [1] : vector<256x64xf32> to vector<256xf32>
    %broadcast_in_dim3A_375 = vector.shape_cast %reduce_sum3A_374 : vector<256xf32> to vector<256x1xf32>
    %get3A_376 = arith.constant 6 : index
    %get3A_377 = arith.constant 0 : index
    %get3A_378 = vector.load %arg7[%get3A_376, %get3A_377] : memref<12x1024xf32, #tpu.memory_space<vmem>>, vector<1x1024xf32>
    %get3A_379 = vector.shape_cast %get3A_378 : vector<1x1024xf32> to vector<1024xf32>
    %broadcast_in_dim3A_380 = vector.shape_cast %get3A_379 : vector<1024xf32> to vector<1x1024xf32>
    %add3A_381 = arith.addf %get3A_366, %get3A_366 : vector<256x64xf32>
    %convert_element_type3A_382 = arith.truncf %add3A_381 : vector<256x64xf32> to vector<256x64xbf16>
    %convert_element_type3A_383 = arith.extf %convert_element_type3A_382 : vector<256x64xbf16> to vector<256x64xf32>
    %sub3A_384 = arith.subf %add3A_381, %convert_element_type3A_383 : vector<256x64xf32>
    %convert_element_type3A_385 = arith.truncf %sub3A_384 : vector<256x64xf32> to vector<256x64xbf16>
    %convert_element_type3A_386 = arith.extf %convert_element_type3A_385 : vector<256x64xbf16> to vector<256x64xf32>
    %sub3A_387 = arith.subf %sub3A_384, %convert_element_type3A_386 : vector<256x64xf32>
    %convert_element_type3A_388 = arith.truncf %sub3A_387 : vector<256x64xf32> to vector<256x64xbf16>
    %concatenate3A_389 = tpu.concatenate %convert_element_type3A_382, %convert_element_type3A_382, %convert_element_type3A_385, %convert_element_type3A_382, %convert_element_type3A_385, %convert_element_type3A_388, %convert_element_type3A_385, %convert_element_type3A_388 in 1 : vector<256x64xbf16>, vector<256x64xbf16>, vector<256x64xbf16>, vector<256x64xbf16>, vector<256x64xbf16>, vector<256x64xbf16>, vector<256x64xbf16>, vector<256x64xbf16> -> vector<256x512xbf16>
    %get3A_390 = arith.constant 6 : index
    %get3A_391 = arith.constant 0 : index
    %get3A_392 = arith.constant 0 : index
    %get3A_393 = vector.load %arg3[%get3A_390, %get3A_391, %get3A_392] : memref<12x1024x512xbf16, #tpu.memory_space<vmem>>, vector<1x1024x512xbf16>
    %get3A_394 = vector.shape_cast %get3A_393 : vector<1x1024x512xbf16> to vector<1024x512xbf16>
    %dot_general3A_395 = arith.constant dense<0.000000e+00> : vector<256x1024xf32>
    %dot_general3A_396 = tpu.matmul %concatenate3A_389, %get3A_394, %dot_general3A_395 {dimension_numbers = #tpu.dot_dimension_numbers<[1], [1], [0], [0], [0, 0, 1, 0], [], []>, transpose_lhs_hint = false} : vector<256x512xbf16>, vector<1024x512xbf16>, vector<256x1024xf32> -> vector<256x1024xf32>
    %add3A_397 = vector.broadcast %broadcast_in_dim3A_375 : vector<256x1xf32> to vector<256x1024xf32>
    %add3A_398 = vector.broadcast %broadcast_in_dim3A_380 : vector<1x1024xf32> to vector<256x1024xf32>
    %add3A_399 = arith.addf %add3A_397, %add3A_398 : vector<256x1024xf32>
    %sub3A_400 = arith.subf %add3A_399, %dot_general3A_396 : vector<256x1024xf32>
    %max3A_401 = arith.constant 0.000000e+00 : f32
    %max3A_402 = vector.broadcast %max3A_401 : f32 to vector<256x1024xf32>
    %max3A_403 = arith.maximumf %sub3A_400, %max3A_402 : vector<256x1024xf32>
    %sqrt3A_404 = math.sqrt %max3A_403 : vector<256x1024xf32>
    %neg3A_405 = arith.constant 0.000000e+00 : f32
    %neg3A_406 = vector.broadcast %neg3A_405 : f32 to vector<256x1024xf32>
    %neg3A_407 = arith.subf %neg3A_406, %sqrt3A_404 : vector<256x1024xf32>
    %exp3A_408 = math.exp %neg3A_407 : vector<256x1024xf32>
    %dot_general3A_409 = arith.constant dense<0.000000e+00> : vector<256x72xf32>
    %dot_general3A_410 = tpu.matmul %exp3A_408, %get3A_371, %dot_general3A_409 {dimension_numbers = #tpu.dot_dimension_numbers<[1], [0], [0], [1], [0, 0, 1, 1], [], []>, transpose_lhs_hint = false} : vector<256x1024xf32>, vector<1024x72xf32>, vector<256x72xf32> -> vector<256x72xf32>
    %slice3A_411 = vector.extract_strided_slice %dot_general3A_410 {offsets = [0, 64], sizes = [256, 1], strides = [1, 1]} : vector<256x72xf32> to vector<256x1xf32>
    %slice3A_412 = vector.extract_strided_slice %dot_general3A_410 {offsets = [0, 0], sizes = [256, 64], strides = [1, 1]} : vector<256x72xf32> to vector<256x64xf32>
    %div3A_413 = arith.constant 1.000000e+00 : f32
    %div3A_414 = vector.broadcast %div3A_413 : f32 to vector<256x1xf32>
    %div3A_415 = arith.divf %div3A_414, %slice3A_411 : vector<256x1xf32>
    %mul3A_416 = vector.broadcast %div3A_415 : vector<256x1xf32> to vector<256x64xf32>
    %mul3A_417 = arith.mulf %slice3A_412, %mul3A_416 : vector<256x64xf32>
    %swap3A_418 = arith.constant 0 : index
    %swap3A_419 = arith.constant 384 : index
    %swap3A_420 = vector.load %arg4[%swap3A_418, %swap3A_419] : memref<256x768xf32, #tpu.memory_space<vmem>>, vector<256x64xf32>
    tpu.vector_store %arg4[%swap3A_418, %swap3A_419], %mul3A_417 {strides = array<i32>} : memref<256x768xf32, #tpu.memory_space<vmem>>, vector<256x64xf32>,
    %argmin3A_421 = tpu.reduce_index %sub3A_400 {axis = 1 : i32, kind = #tpu.reduction_kind<arg_min>} : vector<256x1024xf32> -> vector<256xi32>
    %broadcast_in_dim3A_422 = vector.shape_cast %argmin3A_421 : vector<256xi32> to vector<256x1xi32>
    %add3A_423 = arith.constant 6144 : i32
    %add3A_424 = vector.broadcast %add3A_423 : i32 to vector<256xi32>
    %add3A_425 = arith.addi %argmin3A_421, %add3A_424 : vector<256xi32>
    %broadcast_in_dim3A_426 = vector.shape_cast %add3A_425 : vector<256xi32> to vector<256x1xi32>
    %get3A_427 = arith.constant 0 : index
    %get3A_428 = arith.constant 448 : index
    %get3A_429 = vector.load %arg1[%get3A_427, %get3A_428] : memref<256x768xf32, #tpu.memory_space<vmem>>, vector<256x64xf32>
    %get3A_430 = arith.constant 7 : index
    %get3A_431 = arith.constant 0 : index
    %get3A_432 = arith.constant 0 : index
    %get3A_433 = vector.load %arg2[%get3A_430, %get3A_431, %get3A_432] : memref<12x1024x72xf32, #tpu.memory_space<vmem>>, vector<1x1024x72xf32>
    %get3A_434 = vector.shape_cast %get3A_433 : vector<1x1024x72xf32> to vector<1024x72xf32>
    %mul3A_435 = arith.mulf %get3A_429, %get3A_429 : vector<256x64xf32>
    %reduce_sum3A_436 = arith.constant dense<0.000000e+00> : vector<256xf32>
    %reduce_sum3A_437 = vector.multi_reduction <add>, %mul3A_435, %reduce_sum3A_436 [1] : vector<256x64xf32> to vector<256xf32>
    %broadcast_in_dim3A_438 = vector.shape_cast %reduce_sum3A_437 : vector<256xf32> to vector<256x1xf32>
    %get3A_439 = arith.constant 7 : index
    %get3A_440 = arith.constant 0 : index
    %get3A_441 = vector.load %arg7[%get3A_439, %get3A_440] : memref<12x1024xf32, #tpu.memory_space<vmem>>, vector<1x1024xf32>
    %get3A_442 = vector.shape_cast %get3A_441 : vector<1x1024xf32> to vector<1024xf32>
    %broadcast_in_dim3A_443 = vector.shape_cast %get3A_442 : vector<1024xf32> to vector<1x1024xf32>
    %add3A_444 = arith.addf %get3A_429, %get3A_429 : vector<256x64xf32>
    %convert_element_type3A_445 = arith.truncf %add3A_444 : vector<256x64xf32> to vector<256x64xbf16>
    %convert_element_type3A_446 = arith.extf %convert_element_type3A_445 : vector<256x64xbf16> to vector<256x64xf32>
    %sub3A_447 = arith.subf %add3A_444, %convert_element_type3A_446 : vector<256x64xf32>
    %convert_element_type3A_448 = arith.truncf %sub3A_447 : vector<256x64xf32> to vector<256x64xbf16>
    %convert_element_type3A_449 = arith.extf %convert_element_type3A_448 : vector<256x64xbf16> to vector<256x64xf32>
    %sub3A_450 = arith.subf %sub3A_447, %convert_element_type3A_449 : vector<256x64xf32>
    %convert_element_type3A_451 = arith.truncf %sub3A_450 : vector<256x64xf32> to vector<256x64xbf16>
    %concatenate3A_452 = tpu.concatenate %convert_element_type3A_445, %convert_element_type3A_445, %convert_element_type3A_448, %convert_element_type3A_445, %convert_element_type3A_448, %convert_element_type3A_451, %convert_element_type3A_448, %convert_element_type3A_451 in 1 : vector<256x64xbf16>, vector<256x64xbf16>, vector<256x64xbf16>, vector<256x64xbf16>, vector<256x64xbf16>, vector<256x64xbf16>, vector<256x64xbf16>, vector<256x64xbf16> -> vector<256x512xbf16>
    %get3A_453 = arith.constant 7 : index
    %get3A_454 = arith.constant 0 : index
    %get3A_455 = arith.constant 0 : index
    %get3A_456 = vector.load %arg3[%get3A_453, %get3A_454, %get3A_455] : memref<12x1024x512xbf16, #tpu.memory_space<vmem>>, vector<1x1024x512xbf16>
    %get3A_457 = vector.shape_cast %get3A_456 : vector<1x1024x512xbf16> to vector<1024x512xbf16>
    %dot_general3A_458 = arith.constant dense<0.000000e+00> : vector<256x1024xf32>
    %dot_general3A_459 = tpu.matmul %concatenate3A_452, %get3A_457, %dot_general3A_458 {dimension_numbers = #tpu.dot_dimension_numbers<[1], [1], [0], [0], [0, 0, 1, 0], [], []>, transpose_lhs_hint = false} : vector<256x512xbf16>, vector<1024x512xbf16>, vector<256x1024xf32> -> vector<256x1024xf32>
    %add3A_460 = vector.broadcast %broadcast_in_dim3A_438 : vector<256x1xf32> to vector<256x1024xf32>
    %add3A_461 = vector.broadcast %broadcast_in_dim3A_443 : vector<1x1024xf32> to vector<256x1024xf32>
    %add3A_462 = arith.addf %add3A_460, %add3A_461 : vector<256x1024xf32>
    %sub3A_463 = arith.subf %add3A_462, %dot_general3A_459 : vector<256x1024xf32>
    %max3A_464 = arith.constant 0.000000e+00 : f32
    %max3A_465 = vector.broadcast %max3A_464 : f32 to vector<256x1024xf32>
    %max3A_466 = arith.maximumf %sub3A_463, %max3A_465 : vector<256x1024xf32>
    %sqrt3A_467 = math.sqrt %max3A_466 : vector<256x1024xf32>
    %neg3A_468 = arith.constant 0.000000e+00 : f32
    %neg3A_469 = vector.broadcast %neg3A_468 : f32 to vector<256x1024xf32>
    %neg3A_470 = arith.subf %neg3A_469, %sqrt3A_467 : vector<256x1024xf32>
    %exp3A_471 = math.exp %neg3A_470 : vector<256x1024xf32>
    %dot_general3A_472 = arith.constant dense<0.000000e+00> : vector<256x72xf32>
    %dot_general3A_473 = tpu.matmul %exp3A_471, %get3A_434, %dot_general3A_472 {dimension_numbers = #tpu.dot_dimension_numbers<[1], [0], [0], [1], [0, 0, 1, 1], [], []>, transpose_lhs_hint = false} : vector<256x1024xf32>, vector<1024x72xf32>, vector<256x72xf32> -> vector<256x72xf32>
    %slice3A_474 = vector.extract_strided_slice %dot_general3A_473 {offsets = [0, 64], sizes = [256, 1], strides = [1, 1]} : vector<256x72xf32> to vector<256x1xf32>
    %slice3A_475 = vector.extract_strided_slice %dot_general3A_473 {offsets = [0, 0], sizes = [256, 64], strides = [1, 1]} : vector<256x72xf32> to vector<256x64xf32>
    %div3A_476 = arith.constant 1.000000e+00 : f32
    %div3A_477 = vector.broadcast %div3A_476 : f32 to vector<256x1xf32>
    %div3A_478 = arith.divf %div3A_477, %slice3A_474 : vector<256x1xf32>
    %mul3A_479 = vector.broadcast %div3A_478 : vector<256x1xf32> to vector<256x64xf32>
    %mul3A_480 = arith.mulf %slice3A_475, %mul3A_479 : vector<256x64xf32>
    %swap3A_481 = arith.constant 0 : index
    %swap3A_482 = arith.constant 448 : index
    %swap3A_483 = vector.load %arg4[%swap3A_481, %swap3A_482] : memref<256x768xf32, #tpu.memory_space<vmem>>, vector<256x64xf32>
    tpu.vector_store %arg4[%swap3A_481, %swap3A_482], %mul3A_480 {strides = array<i32>} : memref<256x768xf32, #tpu.memory_space<vmem>>, vector<256x64xf32>,
    %argmin3A_484 = tpu.reduce_index %sub3A_463 {axis = 1 : i32, kind = #tpu.reduction_kind<arg_min>} : vector<256x1024xf32> -> vector<256xi32>
    %broadcast_in_dim3A_485 = vector.shape_cast %argmin3A_484 : vector<256xi32> to vector<256x1xi32>
    %add3A_486 = arith.constant 7168 : i32
    %add3A_487 = vector.broadcast %add3A_486 : i32 to vector<256xi32>
    %add3A_488 = arith.addi %argmin3A_484, %add3A_487 : vector<256xi32>
    %broadcast_in_dim3A_489 = vector.shape_cast %add3A_488 : vector<256xi32> to vector<256x1xi32>
    %get3A_490 = arith.constant 0 : index
    %get3A_491 = arith.constant 512 : index
    %get3A_492 = vector.load %arg1[%get3A_490, %get3A_491] : memref<256x768xf32, #tpu.memory_space<vmem>>, vector<256x64xf32>
    %get3A_493 = arith.constant 8 : index
    %get3A_494 = arith.constant 0 : index
    %get3A_495 = arith.constant 0 : index
    %get3A_496 = vector.load %arg2[%get3A_493, %get3A_494, %get3A_495] : memref<12x1024x72xf32, #tpu.memory_space<vmem>>, vector<1x1024x72xf32>
    %get3A_497 = vector.shape_cast %get3A_496 : vector<1x1024x72xf32> to vector<1024x72xf32>
    %mul3A_498 = arith.mulf %get3A_492, %get3A_492 : vector<256x64xf32>
    %reduce_sum3A_499 = arith.constant dense<0.000000e+00> : vector<256xf32>
    %reduce_sum3A_500 = vector.multi_reduction <add>, %mul3A_498, %reduce_sum3A_499 [1] : vector<256x64xf32> to vector<256xf32>
    %broadcast_in_dim3A_501 = vector.shape_cast %reduce_sum3A_500 : vector<256xf32> to vector<256x1xf32>
    %get3A_502 = arith.constant 8 : index
    %get3A_503 = arith.constant 0 : index
    %get3A_504 = vector.load %arg7[%get3A_502, %get3A_503] : memref<12x1024xf32, #tpu.memory_space<vmem>>, vector<1x1024xf32>
    %get3A_505 = vector.shape_cast %get3A_504 : vector<1x1024xf32> to vector<1024xf32>
    %broadcast_in_dim3A_506 = vector.shape_cast %get3A_505 : vector<1024xf32> to vector<1x1024xf32>
    %add3A_507 = arith.addf %get3A_492, %get3A_492 : vector<256x64xf32>
    %convert_element_type3A_508 = arith.truncf %add3A_507 : vector<256x64xf32> to vector<256x64xbf16>
    %convert_element_type3A_509 = arith.extf %convert_element_type3A_508 : vector<256x64xbf16> to vector<256x64xf32>
    %sub3A_510 = arith.subf %add3A_507, %convert_element_type3A_509 : vector<256x64xf32>
    %convert_element_type3A_511 = arith.truncf %sub3A_510 : vector<256x64xf32> to vector<256x64xbf16>
    %convert_element_type3A_512 = arith.extf %convert_element_type3A_511 : vector<256x64xbf16> to vector<256x64xf32>
    %sub3A_513 = arith.subf %sub3A_510, %convert_element_type3A_512 : vector<256x64xf32>
    %convert_element_type3A_514 = arith.truncf %sub3A_513 : vector<256x64xf32> to vector<256x64xbf16>
    %concatenate3A_515 = tpu.concatenate %convert_element_type3A_508, %convert_element_type3A_508, %convert_element_type3A_511, %convert_element_type3A_508, %convert_element_type3A_511, %convert_element_type3A_514, %convert_element_type3A_511, %convert_element_type3A_514 in 1 : vector<256x64xbf16>, vector<256x64xbf16>, vector<256x64xbf16>, vector<256x64xbf16>, vector<256x64xbf16>, vector<256x64xbf16>, vector<256x64xbf16>, vector<256x64xbf16> -> vector<256x512xbf16>
    %get3A_516 = arith.constant 8 : index
    %get3A_517 = arith.constant 0 : index
    %get3A_518 = arith.constant 0 : index
    %get3A_519 = vector.load %arg3[%get3A_516, %get3A_517, %get3A_518] : memref<12x1024x512xbf16, #tpu.memory_space<vmem>>, vector<1x1024x512xbf16>
    %get3A_520 = vector.shape_cast %get3A_519 : vector<1x1024x512xbf16> to vector<1024x512xbf16>
    %dot_general3A_521 = arith.constant dense<0.000000e+00> : vector<256x1024xf32>
    %dot_general3A_522 = tpu.matmul %concatenate3A_515, %get3A_520, %dot_general3A_521 {dimension_numbers = #tpu.dot_dimension_numbers<[1], [1], [0], [0], [0, 0, 1, 0], [], []>, transpose_lhs_hint = false} : vector<256x512xbf16>, vector<1024x512xbf16>, vector<256x1024xf32> -> vector<256x1024xf32>
    %add3A_523 = vector.broadcast %broadcast_in_dim3A_501 : vector<256x1xf32> to vector<256x1024xf32>
    %add3A_524 = vector.broadcast %broadcast_in_dim3A_506 : vector<1x1024xf32> to vector<256x1024xf32>
    %add3A_525 = arith.addf %add3A_523, %add3A_524 : vector<256x1024xf32>
    %sub3A_526 = arith.subf %add3A_525, %dot_general3A_522 : vector<256x1024xf32>
    %max3A_527 = arith.constant 0.000000e+00 : f32
    %max3A_528 = vector.broadcast %max3A_527 : f32 to vector<256x1024xf32>
    %max3A_529 = arith.maximumf %sub3A_526, %max3A_528 : vector<256x1024xf32>
    %sqrt3A_530 = math.sqrt %max3A_529 : vector<256x1024xf32>
    %neg3A_531 = arith.constant 0.000000e+00 : f32
    %neg3A_532 = vector.broadcast %neg3A_531 : f32 to vector<256x1024xf32>
    %neg3A_533 = arith.subf %neg3A_532, %sqrt3A_530 : vector<256x1024xf32>
    %exp3A_534 = math.exp %neg3A_533 : vector<256x1024xf32>
    %dot_general3A_535 = arith.constant dense<0.000000e+00> : vector<256x72xf32>
    %dot_general3A_536 = tpu.matmul %exp3A_534, %get3A_497, %dot_general3A_535 {dimension_numbers = #tpu.dot_dimension_numbers<[1], [0], [0], [1], [0, 0, 1, 1], [], []>, transpose_lhs_hint = false} : vector<256x1024xf32>, vector<1024x72xf32>, vector<256x72xf32> -> vector<256x72xf32>
    %slice3A_537 = vector.extract_strided_slice %dot_general3A_536 {offsets = [0, 64], sizes = [256, 1], strides = [1, 1]} : vector<256x72xf32> to vector<256x1xf32>
    %slice3A_538 = vector.extract_strided_slice %dot_general3A_536 {offsets = [0, 0], sizes = [256, 64], strides = [1, 1]} : vector<256x72xf32> to vector<256x64xf32>
    %div3A_539 = arith.constant 1.000000e+00 : f32
    %div3A_540 = vector.broadcast %div3A_539 : f32 to vector<256x1xf32>
    %div3A_541 = arith.divf %div3A_540, %slice3A_537 : vector<256x1xf32>
    %mul3A_542 = vector.broadcast %div3A_541 : vector<256x1xf32> to vector<256x64xf32>
    %mul3A_543 = arith.mulf %slice3A_538, %mul3A_542 : vector<256x64xf32>
    %swap3A_544 = arith.constant 0 : index
    %swap3A_545 = arith.constant 512 : index
    %swap3A_546 = vector.load %arg4[%swap3A_544, %swap3A_545] : memref<256x768xf32, #tpu.memory_space<vmem>>, vector<256x64xf32>
    tpu.vector_store %arg4[%swap3A_544, %swap3A_545], %mul3A_543 {strides = array<i32>} : memref<256x768xf32, #tpu.memory_space<vmem>>, vector<256x64xf32>,
    %argmin3A_547 = tpu.reduce_index %sub3A_526 {axis = 1 : i32, kind = #tpu.reduction_kind<arg_min>} : vector<256x1024xf32> -> vector<256xi32>
    %broadcast_in_dim3A_548 = vector.shape_cast %argmin3A_547 : vector<256xi32> to vector<256x1xi32>
    %add3A_549 = arith.constant 8192 : i32
    %add3A_550 = vector.broadcast %add3A_549 : i32 to vector<256xi32>
    %add3A_551 = arith.addi %argmin3A_547, %add3A_550 : vector<256xi32>
    %broadcast_in_dim3A_552 = vector.shape_cast %add3A_551 : vector<256xi32> to vector<256x1xi32>
    %get3A_553 = arith.constant 0 : index
    %get3A_554 = arith.constant 576 : index
    %get3A_555 = vector.load %arg1[%get3A_553, %get3A_554] : memref<256x768xf32, #tpu.memory_space<vmem>>, vector<256x64xf32>
    %get3A_556 = arith.constant 9 : index
    %get3A_557 = arith.constant 0 : index
    %get3A_558 = arith.constant 0 : index
    %get3A_559 = vector.load %arg2[%get3A_556, %get3A_557, %get3A_558] : memref<12x1024x72xf32, #tpu.memory_space<vmem>>, vector<1x1024x72xf32>
    %get3A_560 = vector.shape_cast %get3A_559 : vector<1x1024x72xf32> to vector<1024x72xf32>
    %mul3A_561 = arith.mulf %get3A_555, %get3A_555 : vector<256x64xf32>
    %reduce_sum3A_562 = arith.constant dense<0.000000e+00> : vector<256xf32>
    %reduce_sum3A_563 = vector.multi_reduction <add>, %mul3A_561, %reduce_sum3A_562 [1] : vector<256x64xf32> to vector<256xf32>
    %broadcast_in_dim3A_564 = vector.shape_cast %reduce_sum3A_563 : vector<256xf32> to vector<256x1xf32>
    %get3A_565 = arith.constant 9 : index
    %get3A_566 = arith.constant 0 : index
    %get3A_567 = vector.load %arg7[%get3A_565, %get3A_566] : memref<12x1024xf32, #tpu.memory_space<vmem>>, vector<1x1024xf32>
    %get3A_568 = vector.shape_cast %get3A_567 : vector<1x1024xf32> to vector<1024xf32>
    %broadcast_in_dim3A_569 = vector.shape_cast %get3A_568 : vector<1024xf32> to vector<1x1024xf32>
    %add3A_570 = arith.addf %get3A_555, %get3A_555 : vector<256x64xf32>
    %convert_element_type3A_571 = arith.truncf %add3A_570 : vector<256x64xf32> to vector<256x64xbf16>
    %convert_element_type3A_572 = arith.extf %convert_element_type3A_571 : vector<256x64xbf16> to vector<256x64xf32>
    %sub3A_573 = arith.subf %add3A_570, %convert_element_type3A_572 : vector<256x64xf32>
    %convert_element_type3A_574 = arith.truncf %sub3A_573 : vector<256x64xf32> to vector<256x64xbf16>
    %convert_element_type3A_575 = arith.extf %convert_element_type3A_574 : vector<256x64xbf16> to vector<256x64xf32>
    %sub3A_576 = arith.subf %sub3A_573, %convert_element_type3A_575 : vector<256x64xf32>
    %convert_element_type3A_577 = arith.truncf %sub3A_576 : vector<256x64xf32> to vector<256x64xbf16>
    %concatenate3A_578 = tpu.concatenate %convert_element_type3A_571, %convert_element_type3A_571, %convert_element_type3A_574, %convert_element_type3A_571, %convert_element_type3A_574, %convert_element_type3A_577, %convert_element_type3A_574, %convert_element_type3A_577 in 1 : vector<256x64xbf16>, vector<256x64xbf16>, vector<256x64xbf16>, vector<256x64xbf16>, vector<256x64xbf16>, vector<256x64xbf16>, vector<256x64xbf16>, vector<256x64xbf16> -> vector<256x512xbf16>
    %get3A_579 = arith.constant 9 : index
    %get3A_580 = arith.constant 0 : index
    %get3A_581 = arith.constant 0 : index
    %get3A_582 = vector.load %arg3[%get3A_579, %get3A_580, %get3A_581] : memref<12x1024x512xbf16, #tpu.memory_space<vmem>>, vector<1x1024x512xbf16>
    %get3A_583 = vector.shape_cast %get3A_582 : vector<1x1024x512xbf16> to vector<1024x512xbf16>
    %dot_general3A_584 = arith.constant dense<0.000000e+00> : vector<256x1024xf32>
    %dot_general3A_585 = tpu.matmul %concatenate3A_578, %get3A_583, %dot_general3A_584 {dimension_numbers = #tpu.dot_dimension_numbers<[1], [1], [0], [0], [0, 0, 1, 0], [], []>, transpose_lhs_hint = false} : vector<256x512xbf16>, vector<1024x512xbf16>, vector<256x1024xf32> -> vector<256x1024xf32>
    %add3A_586 = vector.broadcast %broadcast_in_dim3A_564 : vector<256x1xf32> to vector<256x1024xf32>
    %add3A_587 = vector.broadcast %broadcast_in_dim3A_569 : vector<1x1024xf32> to vector<256x1024xf32>
    %add3A_588 = arith.addf %add3A_586, %add3A_587 : vector<256x1024xf32>
    %sub3A_589 = arith.subf %add3A_588, %dot_general3A_585 : vector<256x1024xf32>
    %max3A_590 = arith.constant 0.000000e+00 : f32
    %max3A_591 = vector.broadcast %max3A_590 : f32 to vector<256x1024xf32>
    %max3A_592 = arith.maximumf %sub3A_589, %max3A_591 : vector<256x1024xf32>
    %sqrt3A_593 = math.sqrt %max3A_592 : vector<256x1024xf32>
    %neg3A_594 = arith.constant 0.000000e+00 : f32
    %neg3A_595 = vector.broadcast %neg3A_594 : f32 to vector<256x1024xf32>
    %neg3A_596 = arith.subf %neg3A_595, %sqrt3A_593 : vector<256x1024xf32>
    %exp3A_597 = math.exp %neg3A_596 : vector<256x1024xf32>
    %dot_general3A_598 = arith.constant dense<0.000000e+00> : vector<256x72xf32>
    %dot_general3A_599 = tpu.matmul %exp3A_597, %get3A_560, %dot_general3A_598 {dimension_numbers = #tpu.dot_dimension_numbers<[1], [0], [0], [1], [0, 0, 1, 1], [], []>, transpose_lhs_hint = false} : vector<256x1024xf32>, vector<1024x72xf32>, vector<256x72xf32> -> vector<256x72xf32>
    %slice3A_600 = vector.extract_strided_slice %dot_general3A_599 {offsets = [0, 64], sizes = [256, 1], strides = [1, 1]} : vector<256x72xf32> to vector<256x1xf32>
    %slice3A_601 = vector.extract_strided_slice %dot_general3A_599 {offsets = [0, 0], sizes = [256, 64], strides = [1, 1]} : vector<256x72xf32> to vector<256x64xf32>
    %div3A_602 = arith.constant 1.000000e+00 : f32
    %div3A_603 = vector.broadcast %div3A_602 : f32 to vector<256x1xf32>
    %div3A_604 = arith.divf %div3A_603, %slice3A_600 : vector<256x1xf32>
    %mul3A_605 = vector.broadcast %div3A_604 : vector<256x1xf32> to vector<256x64xf32>
    %mul3A_606 = arith.mulf %slice3A_601, %mul3A_605 : vector<256x64xf32>
    %swap3A_607 = arith.constant 0 : index
    %swap3A_608 = arith.constant 576 : index
    %swap3A_609 = vector.load %arg4[%swap3A_607, %swap3A_608] : memref<256x768xf32, #tpu.memory_space<vmem>>, vector<256x64xf32>
    tpu.vector_store %arg4[%swap3A_607, %swap3A_608], %mul3A_606 {strides = array<i32>} : memref<256x768xf32, #tpu.memory_space<vmem>>, vector<256x64xf32>,
    %argmin3A_610 = tpu.reduce_index %sub3A_589 {axis = 1 : i32, kind = #tpu.reduction_kind<arg_min>} : vector<256x1024xf32> -> vector<256xi32>
    %broadcast_in_dim3A_611 = vector.shape_cast %argmin3A_610 : vector<256xi32> to vector<256x1xi32>
    %add3A_612 = arith.constant 9216 : i32
    %add3A_613 = vector.broadcast %add3A_612 : i32 to vector<256xi32>
    %add3A_614 = arith.addi %argmin3A_610, %add3A_613 : vector<256xi32>
    %broadcast_in_dim3A_615 = vector.shape_cast %add3A_614 : vector<256xi32> to vector<256x1xi32>
    %get3A_616 = arith.constant 0 : index
    %get3A_617 = arith.constant 640 : index
    %get3A_618 = vector.load %arg1[%get3A_616, %get3A_617] : memref<256x768xf32, #tpu.memory_space<vmem>>, vector<256x64xf32>
    %get3A_619 = arith.constant 10 : index
    %get3A_620 = arith.constant 0 : index
    %get3A_621 = arith.constant 0 : index
    %get3A_622 = vector.load %arg2[%get3A_619, %get3A_620, %get3A_621] : memref<12x1024x72xf32, #tpu.memory_space<vmem>>, vector<1x1024x72xf32>
    %get3A_623 = vector.shape_cast %get3A_622 : vector<1x1024x72xf32> to vector<1024x72xf32>
    %mul3A_624 = arith.mulf %get3A_618, %get3A_618 : vector<256x64xf32>
    %reduce_sum3A_625 = arith.constant dense<0.000000e+00> : vector<256xf32>
    %reduce_sum3A_626 = vector.multi_reduction <add>, %mul3A_624, %reduce_sum3A_625 [1] : vector<256x64xf32> to vector<256xf32>
    %broadcast_in_dim3A_627 = vector.shape_cast %reduce_sum3A_626 : vector<256xf32> to vector<256x1xf32>
    %get3A_628 = arith.constant 10 : index
    %get3A_629 = arith.constant 0 : index
    %get3A_630 = vector.load %arg7[%get3A_628, %get3A_629] : memref<12x1024xf32, #tpu.memory_space<vmem>>, vector<1x1024xf32>
    %get3A_631 = vector.shape_cast %get3A_630 : vector<1x1024xf32> to vector<1024xf32>
    %broadcast_in_dim3A_632 = vector.shape_cast %get3A_631 : vector<1024xf32> to vector<1x1024xf32>
    %add3A_633 = arith.addf %get3A_618, %get3A_618 : vector<256x64xf32>
    %convert_element_type3A_634 = arith.truncf %add3A_633 : vector<256x64xf32> to vector<256x64xbf16>
    %convert_element_type3A_635 = arith.extf %convert_element_type3A_634 : vector<256x64xbf16> to vector<256x64xf32>
    %sub3A_636 = arith.subf %add3A_633, %convert_element_type3A_635 : vector<256x64xf32>
    %convert_element_type3A_637 = arith.truncf %sub3A_636 : vector<256x64xf32> to vector<256x64xbf16>
    %convert_element_type3A_638 = arith.extf %convert_element_type3A_637 : vector<256x64xbf16> to vector<256x64xf32>
    %sub3A_639 = arith.subf %sub3A_636, %convert_element_type3A_638 : vector<256x64xf32>
    %convert_element_type3A_640 = arith.truncf %sub3A_639 : vector<256x64xf32> to vector<256x64xbf16>
    %concatenate3A_641 = tpu.concatenate %convert_element_type3A_634, %convert_element_type3A_634, %convert_element_type3A_637, %convert_element_type3A_634, %convert_element_type3A_637, %convert_element_type3A_640, %convert_element_type3A_637, %convert_element_type3A_640 in 1 : vector<256x64xbf16>, vector<256x64xbf16>, vector<256x64xbf16>, vector<256x64xbf16>, vector<256x64xbf16>, vector<256x64xbf16>, vector<256x64xbf16>, vector<256x64xbf16> -> vector<256x512xbf16>
    %get3A_642 = arith.constant 10 : index
    %get3A_643 = arith.constant 0 : index
    %get3A_644 = arith.constant 0 : index
    %get3A_645 = vector.load %arg3[%get3A_642, %get3A_643, %get3A_644] : memref<12x1024x512xbf16, #tpu.memory_space<vmem>>, vector<1x1024x512xbf16>
    %get3A_646 = vector.shape_cast %get3A_645 : vector<1x1024x512xbf16> to vector<1024x512xbf16>
    %dot_general3A_647 = arith.constant dense<0.000000e+00> : vector<256x1024xf32>
    %dot_general3A_648 = tpu.matmul %concatenate3A_641, %get3A_646, %dot_general3A_647 {dimension_numbers = #tpu.dot_dimension_numbers<[1], [1], [0], [0], [0, 0, 1, 0], [], []>, transpose_lhs_hint = false} : vector<256x512xbf16>, vector<1024x512xbf16>, vector<256x1024xf32> -> vector<256x1024xf32>
    %add3A_649 = vector.broadcast %broadcast_in_dim3A_627 : vector<256x1xf32> to vector<256x1024xf32>
    %add3A_650 = vector.broadcast %broadcast_in_dim3A_632 : vector<1x1024xf32> to vector<256x1024xf32>
    %add3A_651 = arith.addf %add3A_649, %add3A_650 : vector<256x1024xf32>
    %sub3A_652 = arith.subf %add3A_651, %dot_general3A_648 : vector<256x1024xf32>
    %max3A_653 = arith.constant 0.000000e+00 : f32
    %max3A_654 = vector.broadcast %max3A_653 : f32 to vector<256x1024xf32>
    %max3A_655 = arith.maximumf %sub3A_652, %max3A_654 : vector<256x1024xf32>
    %sqrt3A_656 = math.sqrt %max3A_655 : vector<256x1024xf32>
    %neg3A_657 = arith.constant 0.000000e+00 : f32
    %neg3A_658 = vector.broadcast %neg3A_657 : f32 to vector<256x1024xf32>
    %neg3A_659 = arith.subf %neg3A_658, %sqrt3A_656 : vector<256x1024xf32>
    %exp3A_660 = math.exp %neg3A_659 : vector<256x1024xf32>
    %dot_general3A_661 = arith.constant dense<0.000000e+00> : vector<256x72xf32>
    %dot_general3A_662 = tpu.matmul %exp3A_660, %get3A_623, %dot_general3A_661 {dimension_numbers = #tpu.dot_dimension_numbers<[1], [0], [0], [1], [0, 0, 1, 1], [], []>, transpose_lhs_hint = false} : vector<256x1024xf32>, vector<1024x72xf32>, vector<256x72xf32> -> vector<256x72xf32>
    %slice3A_663 = vector.extract_strided_slice %dot_general3A_662 {offsets = [0, 64], sizes = [256, 1], strides = [1, 1]} : vector<256x72xf32> to vector<256x1xf32>
    %slice3A_664 = vector.extract_strided_slice %dot_general3A_662 {offsets = [0, 0], sizes = [256, 64], strides = [1, 1]} : vector<256x72xf32> to vector<256x64xf32>
    %div3A_665 = arith.constant 1.000000e+00 : f32
    %div3A_666 = vector.broadcast %div3A_665 : f32 to vector<256x1xf32>
    %div3A_667 = arith.divf %div3A_666, %slice3A_663 : vector<256x1xf32>
    %mul3A_668 = vector.broadcast %div3A_667 : vector<256x1xf32> to vector<256x64xf32>
    %mul3A_669 = arith.mulf %slice3A_664, %mul3A_668 : vector<256x64xf32>
    %swap3A_670 = arith.constant 0 : index
    %swap3A_671 = arith.constant 640 : index
    %swap3A_672 = vector.load %arg4[%swap3A_670, %swap3A_671] : memref<256x768xf32, #tpu.memory_space<vmem>>, vector<256x64xf32>
    tpu.vector_store %arg4[%swap3A_670, %swap3A_671], %mul3A_669 {strides = array<i32>} : memref<256x768xf32, #tpu.memory_space<vmem>>, vector<256x64xf32>,
    %argmin3A_673 = tpu.reduce_index %sub3A_652 {axis = 1 : i32, kind = #tpu.reduction_kind<arg_min>} : vector<256x1024xf32> -> vector<256xi32>
    %broadcast_in_dim3A_674 = vector.shape_cast %argmin3A_673 : vector<256xi32> to vector<256x1xi32>
    %add3A_675 = arith.constant 10240 : i32
    %add3A_676 = vector.broadcast %add3A_675 : i32 to vector<256xi32>
    %add3A_677 = arith.addi %argmin3A_673, %add3A_676 : vector<256xi32>
    %broadcast_in_dim3A_678 = vector.shape_cast %add3A_677 : vector<256xi32> to vector<256x1xi32>
    %get3A_679 = arith.constant 0 : index
    %get3A_680 = arith.constant 704 : index
    %get3A_681 = vector.load %arg1[%get3A_679, %get3A_680] : memref<256x768xf32, #tpu.memory_space<vmem>>, vector<256x64xf32>
    %get3A_682 = arith.constant 11 : index
    %get3A_683 = arith.constant 0 : index
    %get3A_684 = arith.constant 0 : index
    %get3A_685 = vector.load %arg2[%get3A_682, %get3A_683, %get3A_684] : memref<12x1024x72xf32, #tpu.memory_space<vmem>>, vector<1x1024x72xf32>
    %get3A_686 = vector.shape_cast %get3A_685 : vector<1x1024x72xf32> to vector<1024x72xf32>
    %mul3A_687 = arith.mulf %get3A_681, %get3A_681 : vector<256x64xf32>
    %reduce_sum3A_688 = arith.constant dense<0.000000e+00> : vector<256xf32>
    %reduce_sum3A_689 = vector.multi_reduction <add>, %mul3A_687, %reduce_sum3A_688 [1] : vector<256x64xf32> to vector<256xf32>
    %broadcast_in_dim3A_690 = vector.shape_cast %reduce_sum3A_689 : vector<256xf32> to vector<256x1xf32>
    %get3A_691 = arith.constant 11 : index
    %get3A_692 = arith.constant 0 : index
    %get3A_693 = vector.load %arg7[%get3A_691, %get3A_692] : memref<12x1024xf32, #tpu.memory_space<vmem>>, vector<1x1024xf32>
    %get3A_694 = vector.shape_cast %get3A_693 : vector<1x1024xf32> to vector<1024xf32>
    %broadcast_in_dim3A_695 = vector.shape_cast %get3A_694 : vector<1024xf32> to vector<1x1024xf32>
    %add3A_696 = arith.addf %get3A_681, %get3A_681 : vector<256x64xf32>
    %convert_element_type3A_697 = arith.truncf %add3A_696 : vector<256x64xf32> to vector<256x64xbf16>
    %convert_element_type3A_698 = arith.extf %convert_element_type3A_697 : vector<256x64xbf16> to vector<256x64xf32>
    %sub3A_699 = arith.subf %add3A_696, %convert_element_type3A_698 : vector<256x64xf32>
    %convert_element_type3A_700 = arith.truncf %sub3A_699 : vector<256x64xf32> to vector<256x64xbf16>
    %convert_element_type3A_701 = arith.extf %convert_element_type3A_700 : vector<256x64xbf16> to vector<256x64xf32>
    %sub3A_702 = arith.subf %sub3A_699, %convert_element_type3A_701 : vector<256x64xf32>
    %convert_element_type3A_703 = arith.truncf %sub3A_702 : vector<256x64xf32> to vector<256x64xbf16>
    %concatenate3A_704 = tpu.concatenate %convert_element_type3A_697, %convert_element_type3A_697, %convert_element_type3A_700, %convert_element_type3A_697, %convert_element_type3A_700, %convert_element_type3A_703, %convert_element_type3A_700, %convert_element_type3A_703 in 1 : vector<256x64xbf16>, vector<256x64xbf16>, vector<256x64xbf16>, vector<256x64xbf16>, vector<256x64xbf16>, vector<256x64xbf16>, vector<256x64xbf16>, vector<256x64xbf16> -> vector<256x512xbf16>
    %get3A_705 = arith.constant 11 : index
    %get3A_706 = arith.constant 0 : index
    %get3A_707 = arith.constant 0 : index
    %get3A_708 = vector.load %arg3[%get3A_705, %get3A_706, %get3A_707] : memref<12x1024x512xbf16, #tpu.memory_space<vmem>>, vector<1x1024x512xbf16>
    %get3A_709 = vector.shape_cast %get3A_708 : vector<1x1024x512xbf16> to vector<1024x512xbf16>
    %dot_general3A_710 = arith.constant dense<0.000000e+00> : vector<256x1024xf32>
    %dot_general3A_711 = tpu.matmul %concatenate3A_704, %get3A_709, %dot_general3A_710 {dimension_numbers = #tpu.dot_dimension_numbers<[1], [1], [0], [0], [0, 0, 1, 0], [], []>, transpose_lhs_hint = false} : vector<256x512xbf16>, vector<1024x512xbf16>, vector<256x1024xf32> -> vector<256x1024xf32>
    %add3A_712 = vector.broadcast %broadcast_in_dim3A_690 : vector<256x1xf32> to vector<256x1024xf32>
    %add3A_713 = vector.broadcast %broadcast_in_dim3A_695 : vector<1x1024xf32> to vector<256x1024xf32>
    %add3A_714 = arith.addf %add3A_712, %add3A_713 : vector<256x1024xf32>
    %sub3A_715 = arith.subf %add3A_714, %dot_general3A_711 : vector<256x1024xf32>
    %max3A_716 = arith.constant 0.000000e+00 : f32
    %max3A_717 = vector.broadcast %max3A_716 : f32 to vector<256x1024xf32>
    %max3A_718 = arith.maximumf %sub3A_715, %max3A_717 : vector<256x1024xf32>
    %sqrt3A_719 = math.sqrt %max3A_718 : vector<256x1024xf32>
    %neg3A_720 = arith.constant 0.000000e+00 : f32
    %neg3A_721 = vector.broadcast %neg3A_720 : f32 to vector<256x1024xf32>
    %neg3A_722 = arith.subf %neg3A_721, %sqrt3A_719 : vector<256x1024xf32>
    %exp3A_723 = math.exp %neg3A_722 : vector<256x1024xf32>
    %dot_general3A_724 = arith.constant dense<0.000000e+00> : vector<256x72xf32>
    %dot_general3A_725 = tpu.matmul %exp3A_723, %get3A_686, %dot_general3A_724 {dimension_numbers = #tpu.dot_dimension_numbers<[1], [0], [0], [1], [0, 0, 1, 1], [], []>, transpose_lhs_hint = false} : vector<256x1024xf32>, vector<1024x72xf32>, vector<256x72xf32> -> vector<256x72xf32>
    %slice3A_726 = vector.extract_strided_slice %dot_general3A_725 {offsets = [0, 64], sizes = [256, 1], strides = [1, 1]} : vector<256x72xf32> to vector<256x1xf32>
    %slice3A_727 = vector.extract_strided_slice %dot_general3A_725 {offsets = [0, 0], sizes = [256, 64], strides = [1, 1]} : vector<256x72xf32> to vector<256x64xf32>
    %div3A_728 = arith.constant 1.000000e+00 : f32
    %div3A_729 = vector.broadcast %div3A_728 : f32 to vector<256x1xf32>
    %div3A_730 = arith.divf %div3A_729, %slice3A_726 : vector<256x1xf32>
    %mul3A_731 = vector.broadcast %div3A_730 : vector<256x1xf32> to vector<256x64xf32>
    %mul3A_732 = arith.mulf %slice3A_727, %mul3A_731 : vector<256x64xf32>
    %swap3A_733 = arith.constant 0 : index
    %swap3A_734 = arith.constant 704 : index
    %swap3A_735 = vector.load %arg4[%swap3A_733, %swap3A_734] : memref<256x768xf32, #tpu.memory_space<vmem>>, vector<256x64xf32>
    tpu.vector_store %arg4[%swap3A_733, %swap3A_734], %mul3A_732 {strides = array<i32>} : memref<256x768xf32, #tpu.memory_space<vmem>>, vector<256x64xf32>,
    %argmin3A_736 = tpu.reduce_index %sub3A_715 {axis = 1 : i32, kind = #tpu.reduction_kind<arg_min>} : vector<256x1024xf32> -> vector<256xi32>
    %broadcast_in_dim3A_737 = vector.shape_cast %argmin3A_736 : vector<256xi32> to vector<256x1xi32>
    %add3A_738 = arith.constant 11264 : i32
    %add3A_739 = vector.broadcast %add3A_738 : i32 to vector<256xi32>
    %add3A_740 = arith.addi %argmin3A_736, %add3A_739 : vector<256xi32>
    %broadcast_in_dim3A_741 = vector.shape_cast %add3A_740 : vector<256xi32> to vector<256x1xi32>
    %concatenate3A_742 = tpu.concatenate %broadcast_in_dim3A_44, %broadcast_in_dim3A_107, %broadcast_in_dim3A_170, %broadcast_in_dim3A_233, %broadcast_in_dim3A_296, %broadcast_in_dim3A_359, %broadcast_in_dim3A_422, %broadcast_in_dim3A_485, %broadcast_in_dim3A_548, %broadcast_in_dim3A_611, %broadcast_in_dim3A_674, %broadcast_in_dim3A_737 in 1 : vector<256x1xi32>, vector<256x1xi32>, vector<256x1xi32>, vector<256x1xi32>, vector<256x1xi32>, vector<256x1xi32>, vector<256x1xi32>, vector<256x1xi32>, vector<256x1xi32>, vector<256x1xi32>, vector<256x1xi32>, vector<256x1xi32> -> vector<256x12xi32>
    %swap3A_743 = arith.constant 0 : index
    %swap3A_744 = arith.constant 0 : index
    %swap3A_745 = vector.load %arg5[%swap3A_743, %swap3A_744] : memref<256x12xi32, #tpu.memory_space<vmem>>, vector<256x12xi32>
    tpu.vector_store %arg5[%swap3A_743, %swap3A_744], %concatenate3A_742 {strides = array<i32>} : memref<256x12xi32, #tpu.memory_space<vmem>>, vector<256x12xi32>,
    %concatenate3A_746 = tpu.concatenate %broadcast_in_dim3A_48, %broadcast_in_dim3A_111, %broadcast_in_dim3A_174, %broadcast_in_dim3A_237, %broadcast_in_dim3A_300, %broadcast_in_dim3A_363, %broadcast_in_dim3A_426, %broadcast_in_dim3A_489, %broadcast_in_dim3A_552, %broadcast_in_dim3A_615, %broadcast_in_dim3A_678, %broadcast_in_dim3A_741 in 1 : vector<256x1xi32>, vector<256x1xi32>, vector<256x1xi32>, vector<256x1xi32>, vector<256x1xi32>, vector<256x1xi32>, vector<256x1xi32>, vector<256x1xi32>, vector<256x1xi32>, vector<256x1xi32>, vector<256x1xi32>, vector<256x1xi32> -> vector<256x12xi32>
    %swap3A_747 = arith.constant 0 : index
    %swap3A_748 = arith.constant 0 : index
    %swap3A_749 = vector.load %arg6[%swap3A_747, %swap3A_748] : memref<256x12xi32, #tpu.memory_space<vmem>>, vector<256x12xi32>
    tpu.vector_store %arg6[%swap3A_747, %swap3A_748], %concatenate3A_746 {strides = array<i32>} : memref<256x12xi32, #tpu.memory_space<vmem>>, vector<256x12xi32>,
    return
  }
  func.func @transform_0(%arg0: i32) -> (i32, i32) {
    %c0_i32 = arith.constant 0 : i32
    %c0_i32_0 = arith.constant 0 : i32
    return %arg0, %c0_i32 : i32, i32
  }
  func.func @transform_1(%arg0: i32) -> (i32, i32, i32) {
    %c0_i32 = arith.constant 0 : i32
    %c0_i32_0 = arith.constant 0 : i32
    %c0_i32_1 = arith.constant 0 : i32
    %c0_i32_2 = arith.constant 0 : i32
    return %c0_i32, %c0_i32_0, %c0_i32_1 : i32, i32, i32
  }
  func.func @transform_2(%arg0: i32) -> (i32, i32, i32) {
    %c0_i32 = arith.constant 0 : i32
    %c0_i32_0 = arith.constant 0 : i32
    %c0_i32_1 = arith.constant 0 : i32
    %c0_i32_2 = arith.constant 0 : i32
    return %c0_i32, %c0_i32_0, %c0_i32_1 : i32, i32, i32
  }
  func.func @transform_3(%arg0: i32) -> (i32, i32) {
    %c0_i32 = arith.constant 0 : i32
    %c0_i32_0 = arith.constant 0 : i32
    return %arg0, %c0_i32 : i32, i32
  }
  func.func @transform_4(%arg0: i32) -> (i32, i32) {
    %c0_i32 = arith.constant 0 : i32
    %c0_i32_0 = arith.constant 0 : i32
    return %arg0, %c0_i32 : i32, i32
  }
  func.func @transform_5(%arg0: i32) -> (i32, i32) {
    %c0_i32 = arith.constant 0 : i32
    %c0_i32_0 = arith.constant 0 : i32
    return %arg0, %c0_i32 : i32, i32
  }
}

</mosaic_0001>

<sc_bundles>
// kernel: kernel.4.cloned.1.call-start
scs
__scs_entry_jumppad:
0x0: {  	(pc) =	sbr.rel $0x88, $3  }
0x1: {  	(tag) =	ssettag $0x0;
	lr =	simm.s32 $0x1  }
0x2: {  	[smem:$0x3F9F] =	sst lr;
	_ =	strace $0xD0000000  }
0x3: {  	_ = 	snop  }
0x4: {  	_ = 	snop  }
0x5: {  	_ = 	snop  }
0x6: {  	_ = 	snop  }
0x7: {  	_ = 	snop  }
__scs_overlays_trampoline_lowered:
0x8: {  	[smem:$0x3FAE] =	sst s0  }
0x9: {  	[smem:$0x3FAF] =	sst s1  }
0xa: {  	[smem:$0x3FB0] =	sst s2  }
0xb: {  	[smem:$0x3FB1] =	sst s3  }
0xc: {  	[smem:$0x3FB2] =	sst s4  }
0xd: {  	[smem:$0x3FB3] =	sst s5  }
0xe: {  	[smem:$0x3FB4] =	sst s6  }
0xf: {  	[smem:$0x3FB5] =	sst s7  }
0x10: {  	[smem:$0x3FB6] =	sst s8  }
0x11: {  	[smem:$0x3FB7] =	sst s9;
	s0 =	simm.s32 @!p0 $0x0  }
0x12: {  	s1 =	sld [smem:$0x3F9D];
	s0 =	simm.s32 @p0 $0x1  }
0x13: {  	[smem:$0x3FB8] =	sst s0;
	s0 =	simm.s32 @!p1 $0x0  }
0x14: {  	s2 =	sld [smem:$0x3F9C];
	s0 =	simm.s32 @p1 $0x1  }
0x15: {  	[smem:$0x3FB9] =	sst s0;
	s0 =	simm.s32 @!p2 $0x0  }
0x16: {  	s3 =	sld [smem:$0x3FDB];
	s0 =	simm.s32 @p2 $0x1  }
0x17: {  	s4 =	simm.s32 $0x1BF5;
	[smem:$0x3FBB] =	sst s0  }
0x18: {  	s0 =	sld [smem:$0x3F9E];
	_ =	swait.ge [sflag:s4], $0x0  }
0x19: {  	s7 =	sld [smem:$0x3F9F]  }
0x1a: {  	s8 =	sadd.s32 $0xFFFFE003, lr  }
0x1b: {  	s9 =	sadd.s32 $0xFFFFFEF7, lr;
	s5 =	simm.s32 $0xFFFFFFFF;
	p2 =	slt.u32 s8, $0xFFFFF086  }
0x1c: {  	p1 =	slt.u32 s9, $0xF7A;
	s5 =	simm.s32 @!p2 $0x0  }
0x1d: {  	s5 =	simm.s32 @p1 $0x1;
	p0 =	seq.s32 s7, s2  }
0x1e: {  	s7 =	smul.u32 @!p0 $0xF7A, s2;
	p2 =	seq.s32 @!p0 s5, $0x0  }
0x1f: {  	s9 =	smul.u32 $0xF7A, s1;
	s8 =	simm.s32 @!p0 $0x1BF5;
	p2 =	por !p2, p0  }
0x20: {  	[sflag:s8] =	ssyncset.s32 @!p0 $0xFFFFF086;
	s6 =	sadd.s32 @!p0 s3, s7;
	s7 =	simm.s32 @!p0 $0x108  }
0x21: {  	s3 =	sadd.s32 s3, s9;
	s6 =	sadd.s32 @!p0 $0x88, s6;
	s7 =	simm.s32 @p2 $0x1082  }
0x22: {  	[simem:s7], [sflag:s8] =	dma.local @!p0 [hbm:s6], $0xF7A  }
0x23: {  	s9 =	sor.u32 $0xD0000000, s2;
	s6 =	simm.s32 $0x108;
	_ =	swait.ge @!p0 [sflag:s8], $0x0  }
0x24: {  	s3 =	sadd.s32 $0x88, s3;
	s6 =	simm.s32 @!p1 $0x1082;
	[sflag:s4] =	ssyncset.s32 $0xFFFFF086  }
0x25: {  	[simem:s6], [sflag:s4] =	dma.local [hbm:s3], $0xF7A  }
0x26: {  	[smem:$0x3F9F] =	sst s1;
	(tag) =	ssettag s2;
	_ =	strace s9  }
0x27: {  	s1 =	sld [smem:$0x3FAF]  }
0x28: {  	s2 =	sld [smem:$0x3FB0]  }
0x29: {  	s4 =	sld [smem:$0x3FB2]  }
0x2a: {  	p0 =	seq.s32 s5, $0x0;
	s5 =	sld [smem:$0x3FB3]  }
0x2b: {  	s6 =	sld [smem:$0x3FB4]  }
0x2c: {  	s7 =	sld [smem:$0x3FB5]  }
0x2d: {  	s3 =	simm.s32 $0x108;
	s8 =	sld [smem:$0x3FB6]  }
0x2e: {  	s3 =	simm.s32 @!p0 $0x1082;
	s9 =	sld [smem:$0x3FB7]  }
0x2f: {  	lr =	sadd.s32 s0, s3;
	s0 =	sld [smem:$0x3FAE]  }
0x30: {  	s3 =	sld [smem:$0x3FB1]  }
0x31: {  	[smem:$0x3FBA] =	sst s10  }
0x32: {  	s10 =	sld [smem:$0x3FB8];
	_ =	sdelay $0x3  }
0x33: {  	p0 =	seq.s32 s10, $0x1;
	s10 =	sld [smem:$0x3FBA];
	_ =	sdelay $0x3  }
0x34: {  	[smem:$0x3FBA] =	sst s10  }
0x35: {  	s10 =	sld [smem:$0x3FB9];
	_ =	sdelay $0x3  }
0x36: {  	p1 =	seq.s32 s10, $0x1;
	s10 =	sld [smem:$0x3FBA];
	_ =	sdelay $0x3  }
0x37: {  	[smem:$0x3FBA] =	sst s10  }
0x38: {  	s10 =	sld [smem:$0x3FBB]  }
0x39: {  	_ = 	snop;
	(pc) =	sbr.ind lr, $3  }
0x3a: {  	_ = 	snop  }
0x3b: {  	_ = 	snop  }
0x3c: {  	p2 =	seq.s32 s10, $0x1;
	s10 =	sld [smem:$0x3FBA]  }
0x3d: {  	_ =	shalt  }
0x3e: {  	_ =	shalt  }
0x3f: {  	_ =	shalt  }
0x40: {  	_ =	shalt  }
0x41: {  	_ =	shalt  }
0x42: {  	_ =	shalt  }
0x43: {  	_ =	shalt  }
0x44: {  	_ =	shalt  }
0x45: {  	_ =	shalt  }
0x46: {  	_ =	shalt  }
0x47: {  	_ =	shalt  }
0x48: {  	_ =	shalt  }
0x49: {  	_ =	shalt  }
0x4a: {  	_ =	shalt  }
0x4b: {  	_ =	shalt  }
0x4c: {  	_ =	shalt  }
0x4d: {  	_ =	shalt  }
0x4e: {  	_ =	shalt  }
0x4f: {  	_ =	shalt  }
0x50: {  	_ =	shalt  }
0x51: {  	_ =	shalt  }
0x52: {  	_ =	shalt  }
0x53: {  	_ =	shalt  }
0x54: {  	_ =	shalt  }
0x55: {  	_ =	shalt  }
0x56: {  	_ =	shalt  }
0x57: {  	_ =	shalt  }
0x58: {  	_ =	shalt  }
0x59: {  	_ =	shalt  }
0x5a: {  	_ =	shalt  }
0x5b: {  	_ =	shalt  }
0x5c: {  	_ =	shalt  }
0x5d: {  	_ =	shalt  }
0x5e: {  	_ =	shalt  }
0x5f: {  	_ =	shalt  }
0x60: {  	_ =	shalt  }
0x61: {  	_ =	shalt  }
0x62: {  	_ =	shalt  }
0x63: {  	_ =	shalt  }
0x64: {  	_ =	shalt  }
0x65: {  	_ =	shalt  }
0x66: {  	_ =	shalt  }
0x67: {  	_ =	shalt  }
0x68: {  	_ =	shalt  }
0x69: {  	_ =	shalt  }
0x6a: {  	_ =	shalt  }
0x6b: {  	_ =	shalt  }
0x6c: {  	_ =	shalt  }
0x6d: {  	_ =	shalt  }
0x6e: {  	_ =	shalt  }
0x6f: {  	_ =	shalt  }
0x70: {  	_ =	shalt  }
0x71: {  	_ =	shalt  }
0x72: {  	_ =	shalt  }
0x73: {  	_ =	shalt  }
0x74: {  	_ =	shalt  }
0x75: {  	_ =	shalt  }
0x76: {  	_ =	shalt  }
0x77: {  	_ =	shalt  }
0x78: {  	_ =	shalt  }
0x79: {  	_ =	shalt  }
0x7a: {  	_ =	shalt  }
0x7b: {  	_ =	shalt  }
0x7c: {  	_ =	shalt  }
0x7d: {  	_ =	shalt  }
0x7e: {  	_ =	shalt  }
0x7f: {  	_ =	shalt  }
0x80: {  	_ =	shalt  }
0x81: {  	_ =	shalt  }
0x82: {  	_ =	shalt  }
0x83: {  	_ =	shalt  }
0x84: {  	_ =	shalt  }
0x85: {  	_ =	shalt  }
0x86: {  	_ =	shalt  }
0x87: {  	_ =	shalt  }
.Lfunc_end0:
.L_simem_size_0:
called_computation_lowered:
.L_overlay_start_0:
0x88: {  	s2 =	sld [smem:$0x3FD9]  }
0x89: {  	s3 =	sld [smem:$0x3FFE];
	_ =	sdelay $0x1  }
0x8a: {  	s1 =	srdreg.scid  }
0x8b: {  	s0 =	sand.u32 $0x1, s1  }
0x8c: {  	s14 =	sshll.u32 s0, $0xA;
	s2 =	sadd.s32 s3, s2  }
0x8d: {  	s2 =	sadd.s32 s2, s14  }
0x8e: {  	[smem:$0x3FC6] =	sst s2  }
0x8f: {  	_ = 	snop  }
0x90: {  	s2 =	sld [smem:$0x3FD0];
	_ =	sdelay $0x2  }
0x91: {  	s15 =	simm.s32 $0xA;
	s4 =	simm.s32 $0x10  }
0x92: {  	[smem:s4], [sflag:s15] =	dma.local [hbm:s2], $0x1  }
0x93: {  	_ =	swait.eq [sflag:s15], $0x1  }
0x94: {  	[sflag:s15] =	ssyncset.done $0x0  }
0x95: {  	[sflag:s15] =	ssyncadd.s32 $0xFFFFFFFF  }
0x96: {  	s16 =	sld [smem:$0x11];
	(tm) =	ssettm $0x1  }
0x97: {  	s17 =	sld [smem:$0x3FFB];
	_ =	sdelay $0x3  }
0x98: {  	_ =	strace s17  }
0x99: {  	s3 =	sld [smem:$0x3FFC];
	_ =	sdelay $0x3  }
0x9a: {  	_ =	strace s3  }
0x9b: {  	s3 =	sld [smem:$0x3FFD];
	_ =	sdelay $0x3  }
0x9c: {  	_ =	strace s3  }
0x9d: {  	_ =	strace $0x8FFFFFFF  }
0x9e: {  	s18 =	sld [smem:$0x3FDB];
	_ =	sdelay $0x1  }
0x9f: {  	s19 =	simm.s32 $_scs_section_size  }
0xa0: {  	s5 =	simm.s32 $_size__tile_overlayer_lowered;
	s6 =	simm.s32 $_tile_overlayer_lowered  }
0xa1: {  	s22 =	simm.s32 $0x1BFF;
	s21 =	sshll.u32 s6, $0x1;
	s3 =	sadd.s32 s19, s18  }
0xa2: {  	s7 =	simm.s32 $0x0;
	s20 =	sshll.u32 s5, $0x1;
	s5 =	sadd.s32 s21, s3  }
0xa3: {  	[timem:s7], [sflag:s22] =	dma.local [hbm:s5], s20  }
0xa4: {  	_ =	swait.ge [sflag:s22], s20  }
0xa5: {  	s4 =	ssub.s32 $0x0, s20;
	[sflag:s22] =	ssyncset.done $0x0  }
0xa6: {  	[sflag:s22] =	ssyncadd.s32 s4;
	_ =	sdelay $0x1  }
0xa7: {  	s23 =	simm.s32 $0x1B8B  }
0xa8: {  	_ =	swait.ge [sflag:s23], $0x1  }
0xa9: {  	[sflag:s23] =	ssyncset.done $0x0  }
0xaa: {  	s25 =	simm.s32 $0x1B8E;
	s24 =	sld [smem:$0x3FFE];
	[sflag:s23] =	ssyncadd.s32 $0xFFFFFFFF  }
0xab: {  	s26 =	simm.s32 $execute0_lowered;
	[smem:$0x3FD2] =	sst s25  }
0xac: {  	s5 =	sshll.u32 s26, $0x1;
	_ =	strace $0x80000046;
	[dreg:$0x1] =	wrdreg $0xFFFFFFFF  }
0xad: {  	s28 =	simm.s32 $_size_execute0_lowered;
	s3 =	sadd.s32 s3, s5;
	[dreg:$0x0] =	wrdreg $0x0  }
0xae: {  	s5 =	sshll.u32 s28, $0x1;
	[dreg:$0x2] =	wrdreg s3  }
0xaf: {  	[dreg:$0x3] =	wrdreg s5  }
0xb0: {  	[dreg:$0x4] =	wrdreg $0xC0  }
0xb1: {  	_ =	task [dreg:s7], $0x5FFFF  }
0xb2: {  	[dreg:$0x1] =	wrdreg $0xFFFFFFFF  }
0xb3: {  	[dreg:$0x0] =	wrdreg $0x60  }
0xb4: {  	[dreg:$0x2] =	wrdreg s24  }
0xb5: {  	[dreg:$0x3] =	wrdreg s16  }
0xb6: {  	[dreg:$0x4] =	wrdreg $0x9  }
0xb7: {  	_ =	task.clear_ibuf [dreg:s7], $0x5FFFF;
	_ =	strace $0x90000046  }
0xb8: {  	s29 =	simm.s32 $0x9;
	_ =	strace $0x80000048  }
0xb9: {  	_ =	swait.ge [sflag:s29], $0x1  }
0xba: {  	[sflag:s29] =	ssyncadd.s32 $0xFFFFFFFF  }
0xbb: {  	_ =	strace $0x90000048  }
0xbc: {  	_ =	sfence  }
0xbd: {  	s30 =	sld [smem:$0x0];
	_ =	sdelay $0x2  }
0xbe: {  	s31 =	sshll.u32 s1, $0xD;
	s1 =	sshrl.u32 s1, $0x2  }
0xbf: {  	s3 =	sand.u32 $0x4000, s31;
	s1 =	sadd.s32 s1, s30  }
0xc0: {  	s0 =	sor.u32 s3, s0;
	s1 =	sshll.u32 s1, $0x11  }
0xc1: {  	s0 =	sor.u32 s1, s0  }
0xc2: {  	s0 =	sadd.s32 $0x8F2B, s0  }
0xc3: {  	[sflag:s0] =	ssyncadd.remote.s32 $0x1  }
0xc4: {  	_ =	sfence.sel $0xFFFF  }
0xc5: {  	[dreg:$0x0] =	wrdreg $0xFFFFFFFF;
	(pc) =	sbr.abs _section_cstart, $3  }
0xc6: {  	[dreg:$0x1] =	wrdreg $0xFFFFFFFF  }
0xc7: {  	_ =	task.clear_ibuf [dreg:s7], $0x2FFFF;
	_ =	strace $0x9FFFFFFF  }
0xc8: {  	(tm) =	ssettm $0x7FFFFFFF  }
0xc9: {  	_ =	shalt  }
tec
execute0_lowered:
.L_overlay_start_1:
0x0: {  	(tag) =	ssettag $0x1  }
0x1: {  	s1 =	srdreg.scid;
	s0 =	stileid.u32  }
0x2: {  	s4 =	rddreg [dreg:$0x0];
	s1 =	sand.u32 $0x1, s1;
	s2 =	sshll.u32 s0, $0x1  }
0x3: {  	s5 =	rddreg [dreg:$0x1];
	s3 =	sor.u32 s1, s2;
	s2 =	simm.s32 $0x0  }
0x4: {  	s14 =	simm.s32 $0x70;
	[smem:$0x7FF] =	sst s2  }
0x5: {  	s15 =	simm.s32 $0x2200;
	_ =	strace $0x80000047;
	[dreg:$0x5] =	wrdreg s14  }
0x6: {  	s16 =	simm.s32 $0xE0;
	[dreg:$0x6] =	wrdreg s15  }
0x7: {  	s17 =	simm.s32 $0x3D00;
	[dreg:$0x7] =	wrdreg s16  }
0x8: {  	s18 =	simm.s32 $0x150;
	s6 =	smul.u32 $0x3600, s3;
	[dreg:$0x8] =	wrdreg s17  }
0x9: {  	s19 =	simm.s32 $0x5800;
	s3 =	smul.u32 $0xE0, s3;
	[dreg:$0x9] =	wrdreg s18  }
0xa: {  	s21 =	simm.s32 $0x1C0;
	[dreg:$0xa] =	wrdreg s19  }
0xb: {  	[dreg:$0xb] =	wrdreg s21;
	s6 =	sadd.s32 s6, s4;
	s3 =	sadd.s32 s5, s3  }
0xc: {  	[dreg:$0x3] =	wrdreg s3;
	s13 =	sadd.s32 $0x18A00, s6  }
0xd: {  	[dreg:$0x4] =	wrdreg s13  }
0xe: {  	s3 =	simm.s32 $0x2;
	s20 =	rddreg [dreg:$0x3]  }
0xf: {  	[tilespmem:s2], [sflag:$0x2] =	stream.linear.gather [hbm4b:s20+s2], $0x700, $0x38;
	[tilespmem:$0x1B700] =	vst v63  }
0x10: {  	_ =	swait.ge [sflag:s3], $0x700  }
0x11: {  	s4 =	sadd.s32 $0xA00, s4;
	s7 =	rddreg [dreg:$0x9]  }
0x12: {  	s5 =	simm.s32 $0x6C;
	s8 =	rddreg [dreg:$0x7];
	[sflag:s3] =	ssyncset.done $0x0  }
0x13: {  	s6 =	simm.s32 $0x700;
	s9 =	rddreg [dreg:$0x5];
	[sflag:s3] =	ssyncadd.s32 $0xFFFFF900  }
0x14: {  	[tilespmem:s6], [sflag:$0x1] =	stream.indirect.gather [hbm4b:s4+s5], $0x40, s2, s5, $0xb8;
	[tilespmem:$0x1B700] =	vst v63  }
0x15: {  	s10 =	rddreg [dreg:$0x6]  }
0x16: {  	[tilespmem:s10], [sflag:$0x1] =	stream.indirect.gather [hbm4b:s4+s5], $0x40, s9, s5, $0xb8;
	[tilespmem:$0x1B700] =	vst v63  }
0x17: {  	s11 =	rddreg [dreg:$0x8]  }
0x18: {  	[tilespmem:s11], [sflag:$0x1] =	stream.indirect.gather [hbm4b:s4+s5], $0x40, s8, s5, $0xb8;
	[tilespmem:$0x1B700] =	vst v63  }
0x19: {  	s22 =	rddreg [dreg:$0xa]  }
0x1a: {  	[tilespmem:s22], [sflag:$0x1] =	stream.indirect.gather [hbm4b:s4+s5], $0x40, s7, s5, $0xb8;
	[tilespmem:$0x1B700] =	vst v63  }
0x1b: {  	s24 =	simm.s32 $0x7300;
	s23 =	rddreg [dreg:$0xb]  }
0x1c: {  	[tilespmem:s24], [sflag:$0x1] =	stream.indirect.gather [hbm4b:s4+s5], $0x40, s23, s5, $0xb8;
	[tilespmem:$0x1B700] =	vst v63  }
0x1d: {  	s25 =	simm.s32 $0x230;
	s26 =	simm.s32 $0x8E00  }
0x1e: {  	[tilespmem:s26], [sflag:$0x1] =	stream.indirect.gather [hbm4b:s4+s5], $0x40, s25, s5, $0xb8;
	[tilespmem:$0x1B700] =	vst v63  }
0x1f: {  	s8 =	simm.s32 $0xA900;
	s7 =	simm.s32 $0x2A0  }
0x20: {  	[tilespmem:s8], [sflag:$0x1] =	stream.indirect.gather [hbm4b:s4+s5], $0x40, s7, s5, $0xb8;
	[tilespmem:$0x1B700] =	vst v63  }
0x21: {  	s12 =	simm.s32 $0x310;
	s13 =	simm.s32 $0xC400  }
0x22: {  	[tilespmem:s13], [sflag:$0x1] =	stream.indirect.gather [hbm4b:s4+s5], $0x40, s12, s5, $0xb8;
	[tilespmem:$0x1B700] =	vst v63  }
0x23: {  	s14 =	simm.s32 $0x380;
	s15 =	simm.s32 $0xDF00  }
0x24: {  	[tilespmem:s15], [sflag:$0x1] =	stream.indirect.gather [hbm4b:s4+s5], $0x40, s14, s5, $0xb8;
	[tilespmem:$0x1B700] =	vst v63  }
0x25: {  	s16 =	simm.s32 $0x3F0;
	s17 =	simm.s32 $0xFA00  }
0x26: {  	[tilespmem:s17], [sflag:$0x1] =	stream.indirect.gather [hbm4b:s4+s5], $0x40, s16, s5, $0xb8;
	[tilespmem:$0x1B700] =	vst v63  }
0x27: {  	s18 =	simm.s32 $0x460;
	s19 =	simm.s32 $0x11500  }
0x28: {  	[tilespmem:s19], [sflag:$0x1] =	stream.indirect.gather [hbm4b:s4+s5], $0x40, s18, s5, $0xb8;
	[tilespmem:$0x1B700] =	vst v63  }
0x29: {  	s21 =	simm.s32 $0x13000;
	s20 =	simm.s32 $0x4D0  }
0x2a: {  	[tilespmem:s21], [sflag:$0x1] =	stream.indirect.gather [hbm4b:s4+s5], $0x40, s20, s5, $0xb8;
	[tilespmem:$0x1B700] =	vst v63  }
0x2b: {  	s22 =	simm.s32 $0x540;
	s23 =	simm.s32 $0x14B00  }
0x2c: {  	[tilespmem:s23], [sflag:$0x1] =	stream.indirect.gather [hbm4b:s4+s5], $0x40, s22, s5, $0xb8;
	[tilespmem:$0x1B700] =	vst v63  }
0x2d: {  	s24 =	simm.s32 $0x5B0;
	s25 =	simm.s32 $0x16600  }
0x2e: {  	[tilespmem:s25], [sflag:$0x1] =	stream.indirect.gather [hbm4b:s4+s5], $0x40, s24, s5, $0xb8;
	[tilespmem:$0x1B700] =	vst v63  }
0x2f: {  	s28 =	simm.s32 $0x18100;
	s26 =	simm.s32 $0x620  }
0x30: {  	[tilespmem:s28], [sflag:$0x1] =	stream.indirect.gather [hbm4b:s4+s5], $0x40, s26, s5, $0xb8;
	[tilespmem:$0x1B700] =	vst v63  }
0x31: {  	s29 =	simm.s32 $0x690;
	s30 =	simm.s32 $0x19C00;
	s31 =	simm.s32 $0x1  }
0x32: {  	[tilespmem:s30], [sflag:$0x1] =	stream.indirect.gather [hbm4b:s4+s5], $0x40, s29, s5, $0xb8;
	[tilespmem:$0x1B700] =	vst v63  }
0x33: {  	_ =	swait.ge [sflag:s31], $0x1B00  }
0x34: {  	[sflag:s31] =	ssyncset.done $0x0  }
0x35: {  	[sflag:s31] =	ssyncadd.s32 $0xFFFFE500  }
0x36: {  	_ =	swait.ge [sflag:s31], $0x1B00  }
0x37: {  	[sflag:s31] =	ssyncset.done $0x0  }
0x38: {  	[sflag:s31] =	ssyncadd.s32 $0xFFFFE500  }
0x39: {  	_ =	swait.ge [sflag:s31], $0x1B00  }
0x3a: {  	[sflag:s31] =	ssyncset.done $0x0  }
0x3b: {  	[sflag:s31] =	ssyncadd.s32 $0xFFFFE500  }
0x3c: {  	_ =	swait.ge [sflag:s31], $0x1B00  }
0x3d: {  	[sflag:s31] =	ssyncset.done $0x0  }
0x3e: {  	[sflag:s31] =	ssyncadd.s32 $0xFFFFE500  }
0x3f: {  	_ =	swait.ge [sflag:s31], $0x1B00  }
0x40: {  	[sflag:s31] =	ssyncset.done $0x0  }
0x41: {  	[sflag:s31] =	ssyncadd.s32 $0xFFFFE500  }
0x42: {  	_ =	swait.ge [sflag:s31], $0x1B00  }
0x43: {  	[sflag:s31] =	ssyncset.done $0x0  }
0x44: {  	[sflag:s31] =	ssyncadd.s32 $0xFFFFE500  }
0x45: {  	_ =	swait.ge [sflag:s31], $0x1B00  }
0x46: {  	[sflag:s31] =	ssyncset.done $0x0  }
0x47: {  	[sflag:s31] =	ssyncadd.s32 $0xFFFFE500  }
0x48: {  	_ =	swait.ge [sflag:s31], $0x1B00  }
0x49: {  	[sflag:s31] =	ssyncset.done $0x0  }
0x4a: {  	[sflag:s31] =	ssyncadd.s32 $0xFFFFE500  }
0x4b: {  	_ =	swait.ge [sflag:s31], $0x1B00  }
0x4c: {  	[sflag:s31] =	ssyncset.done $0x0  }
0x4d: {  	[sflag:s31] =	ssyncadd.s32 $0xFFFFE500  }
0x4e: {  	_ =	swait.ge [sflag:s31], $0x1B00  }
0x4f: {  	[sflag:s31] =	ssyncset.done $0x0  }
0x50: {  	[sflag:s31] =	ssyncadd.s32 $0xFFFFE500  }
0x51: {  	_ =	swait.ge [sflag:s31], $0x1B00  }
0x52: {  	[sflag:s31] =	ssyncset.done $0x0  }
0x53: {  	[sflag:s31] =	ssyncadd.s32 $0xFFFFE500  }
0x54: {  	_ =	swait.ge [sflag:s31], $0x1B00  }
0x55: {  	[sflag:s31] =	ssyncset.done $0x0  }
0x56: {  	[sflag:s31] =	ssyncadd.s32 $0xFFFFE500  }
0x57: {  	_ =	swait.ge [sflag:s31], $0x1B00  }
0x58: {  	[sflag:s31] =	ssyncset.done $0x0  }
0x59: {  	[sflag:s31] =	ssyncadd.s32 $0xFFFFE500  }
0x5a: {  	s1 =	ssub.s32 $0x2, s1;
	_ =	swait.ge [sflag:s31], $0x1B00  }
0x5b: {  	s10 =	sshrl.u32 s1, $0x1;
	[sflag:s31] =	ssyncset.done $0x0  }
0x5c: {  	s0 =	ssub.s32 s1, s10;
	[sflag:s31] =	ssyncadd.s32 $0xFFFFE500  }
0x5d: {  	s0 =	smax.u32 s0, $0x1;
	_ =	swait.ge [sflag:s31], $0x1B00  }
0x5e: {  	p0 =	sne.s32 s0, $0x1;
	[sflag:s31] =	ssyncset.done $0x0  }
.Ltmp0:
0x5f: {  	[sflag:s31] =	ssyncadd.s32 $0xFFFFE500;
	(pc) =	sbr.rel @!p0 .LBB2_2-.Ltmp0, $4  }
0x60: {  	_ =	swait.ge [sflag:s31], $0x1B00  }
0x61: {  	s11 =	simm.s32 $0xA900;
	[sflag:s31] =	ssyncset.done $0x0  }
0x62: {  	s1 =	sadd.s32 $0xFFFFFFFF, s0;
	s9 =	rddreg [dreg:$0x4];
	[sflag:s31] =	ssyncadd.s32 $0xFFFFE500  }
0x63: {  	[hbm4b:s9+s2] =	stream.linear.scatter [tilespmem:s6], [sflag:$0x2], $0x1B000, $0x38;
	[tilespmem:$0x1B700] =	vst v63  }
.LBB2_1:
0x64: {  	_ =	swait.ge [sflag:s3], $0x1B000  }
0x65: {  	[sflag:s3] =	ssyncset.done $0x0  }
0x66: {  	s0 =	rddreg [dreg:$0x3];
	[sflag:s3] =	ssyncadd.s32 $0xFFFE5000  }
0x67: {  	[tilespmem:s2], [sflag:$0x2] =	stream.linear.gather [hbm4b:s0+s2], $0x700, $0x38;
	[tilespmem:$0x1B700] =	vst v63  }
0x68: {  	_ =	swait.ge [sflag:s3], $0x700  }
0x69: {  	s0 =	rddreg [dreg:$0x9]  }
0x6a: {  	[sflag:s3] =	ssyncset.done $0x0;
	s7 =	rddreg [dreg:$0x7]  }
0x6b: {  	s8 =	rddreg [dreg:$0x5];
	[sflag:s3] =	ssyncadd.s32 $0xFFFFF900  }
0x6c: {  	[tilespmem:s6], [sflag:$0x1] =	stream.indirect.gather [hbm4b:s4+s5], $0x40, s2, s5, $0xb8;
	[tilespmem:$0x1B700] =	vst v63  }
0x6d: {  	s9 =	rddreg [dreg:$0x6]  }
0x6e: {  	[tilespmem:s9], [sflag:$0x1] =	stream.indirect.gather [hbm4b:s4+s5], $0x40, s8, s5, $0xb8;
	[tilespmem:$0x1B700] =	vst v63  }
0x6f: {  	s10 =	rddreg [dreg:$0x8]  }
0x70: {  	[tilespmem:s10], [sflag:$0x1] =	stream.indirect.gather [hbm4b:s4+s5], $0x40, s7, s5, $0xb8;
	[tilespmem:$0x1B700] =	vst v63  }
0x71: {  	s8 =	rddreg [dreg:$0xa]  }
0x72: {  	[tilespmem:s8], [sflag:$0x1] =	stream.indirect.gather [hbm4b:s4+s5], $0x40, s0, s5, $0xb8;
	[tilespmem:$0x1B700] =	vst v63  }
0x73: {  	s9 =	rddreg [dreg:$0xb];
	s10 =	simm.s32 $0x7300  }
0x74: {  	[tilespmem:s10], [sflag:$0x1] =	stream.indirect.gather [hbm4b:s4+s5], $0x40, s9, s5, $0xb8;
	[tilespmem:$0x1B700] =	vst v63  }
0x75: {  	s7 =	simm.s32 $0x230;
	s8 =	simm.s32 $0x8E00  }
0x76: {  	[tilespmem:s8], [sflag:$0x1] =	stream.indirect.gather [hbm4b:s4+s5], $0x40, s7, s5, $0xb8;
	[tilespmem:$0x1B700] =	vst v63  }
0x77: {  	s9 =	simm.s32 $0x2A0  }
0x78: {  	[tilespmem:s11], [sflag:$0x1] =	stream.indirect.gather [hbm4b:s4+s5], $0x40, s9, s5, $0xb8;
	[tilespmem:$0x1B700] =	vst v63  }
0x79: {  	_ = 	snop  }
0x7a: {  	[tilespmem:s13], [sflag:$0x1] =	stream.indirect.gather [hbm4b:s4+s5], $0x40, s12, s5, $0xb8;
	[tilespmem:$0x1B700] =	vst v63  }
0x7b: {  	_ = 	snop  }
0x7c: {  	[tilespmem:s15], [sflag:$0x1] =	stream.indirect.gather [hbm4b:s4+s5], $0x40, s14, s5, $0xb8;
	[tilespmem:$0x1B700] =	vst v63  }
0x7d: {  	_ = 	snop  }
0x7e: {  	[tilespmem:s17], [sflag:$0x1] =	stream.indirect.gather [hbm4b:s4+s5], $0x40, s16, s5, $0xb8;
	[tilespmem:$0x1B700] =	vst v63  }
0x7f: {  	_ = 	snop  }
0x80: {  	[tilespmem:s19], [sflag:$0x1] =	stream.indirect.gather [hbm4b:s4+s5], $0x40, s18, s5, $0xb8;
	[tilespmem:$0x1B700] =	vst v63  }
0x81: {  	_ = 	snop  }
0x82: {  	[tilespmem:s21], [sflag:$0x1] =	stream.indirect.gather [hbm4b:s4+s5], $0x40, s20, s5, $0xb8;
	[tilespmem:$0x1B700] =	vst v63  }
0x83: {  	_ = 	snop  }
0x84: {  	[tilespmem:s23], [sflag:$0x1] =	stream.indirect.gather [hbm4b:s4+s5], $0x40, s22, s5, $0xb8;
	[tilespmem:$0x1B700] =	vst v63  }
0x85: {  	_ = 	snop  }
0x86: {  	[tilespmem:s25], [sflag:$0x1] =	stream.indirect.gather [hbm4b:s4+s5], $0x40, s24, s5, $0xb8;
	[tilespmem:$0x1B700] =	vst v63  }
0x87: {  	_ = 	snop  }
0x88: {  	[tilespmem:s28], [sflag:$0x1] =	stream.indirect.gather [hbm4b:s4+s5], $0x40, s26, s5, $0xb8;
	[tilespmem:$0x1B700] =	vst v63  }
0x89: {  	_ = 	snop  }
0x8a: {  	[tilespmem:s30], [sflag:$0x1] =	stream.indirect.gather [hbm4b:s4+s5], $0x40, s29, s5, $0xb8;
	[tilespmem:$0x1B700] =	vst v63  }
0x8b: {  	_ =	swait.ge [sflag:s31], $0x1B00  }
0x8c: {  	[sflag:s31] =	ssyncset.done $0x0  }
0x8d: {  	[sflag:s31] =	ssyncadd.s32 $0xFFFFE500  }
0x8e: {  	_ =	swait.ge [sflag:s31], $0x1B00  }
0x8f: {  	[sflag:s31] =	ssyncset.done $0x0  }
0x90: {  	[sflag:s31] =	ssyncadd.s32 $0xFFFFE500  }
0x91: {  	_ =	swait.ge [sflag:s31], $0x1B00  }
0x92: {  	[sflag:s31] =	ssyncset.done $0x0  }
0x93: {  	[sflag:s31] =	ssyncadd.s32 $0xFFFFE500  }
0x94: {  	_ =	swait.ge [sflag:s31], $0x1B00  }
0x95: {  	[sflag:s31] =	ssyncset.done $0x0  }
0x96: {  	[sflag:s31] =	ssyncadd.s32 $0xFFFFE500  }
0x97: {  	_ =	swait.ge [sflag:s31], $0x1B00  }
0x98: {  	[sflag:s31] =	ssyncset.done $0x0  }
0x99: {  	[sflag:s31] =	ssyncadd.s32 $0xFFFFE500  }
0x9a: {  	_ =	swait.ge [sflag:s31], $0x1B00  }
0x9b: {  	[sflag:s31] =	ssyncset.done $0x0  }
0x9c: {  	[sflag:s31] =	ssyncadd.s32 $0xFFFFE500  }
0x9d: {  	_ =	swait.ge [sflag:s31], $0x1B00  }
0x9e: {  	[sflag:s31] =	ssyncset.done $0x0  }
0x9f: {  	[sflag:s31] =	ssyncadd.s32 $0xFFFFE500  }
0xa0: {  	_ =	swait.ge [sflag:s31], $0x1B00  }
0xa1: {  	[sflag:s31] =	ssyncset.done $0x0  }
0xa2: {  	[sflag:s31] =	ssyncadd.s32 $0xFFFFE500  }
0xa3: {  	_ =	swait.ge [sflag:s31], $0x1B00  }
0xa4: {  	[sflag:s31] =	ssyncset.done $0x0  }
0xa5: {  	[sflag:s31] =	ssyncadd.s32 $0xFFFFE500  }
0xa6: {  	_ =	swait.ge [sflag:s31], $0x1B00  }
0xa7: {  	[sflag:s31] =	ssyncset.done $0x0  }
0xa8: {  	[sflag:s31] =	ssyncadd.s32 $0xFFFFE500  }
0xa9: {  	_ =	swait.ge [sflag:s31], $0x1B00  }
0xaa: {  	[sflag:s31] =	ssyncset.done $0x0  }
0xab: {  	[sflag:s31] =	ssyncadd.s32 $0xFFFFE500  }
0xac: {  	_ =	swait.ge [sflag:s31], $0x1B00  }
0xad: {  	[sflag:s31] =	ssyncset.done $0x0  }
0xae: {  	[sflag:s31] =	ssyncadd.s32 $0xFFFFE500  }
0xaf: {  	_ =	swait.ge [sflag:s31], $0x1B00  }
0xb0: {  	[sflag:s31] =	ssyncset.done $0x0  }
0xb1: {  	[sflag:s31] =	ssyncadd.s32 $0xFFFFE500  }
0xb2: {  	_ =	swait.ge [sflag:s31], $0x1B00  }
0xb3: {  	[sflag:s31] =	ssyncset.done $0x0  }
0xb4: {  	[sflag:s31] =	ssyncadd.s32 $0xFFFFE500  }
0xb5: {  	_ =	swait.ge [sflag:s31], $0x1B00  }
0xb6: {  	p0 =	sne.s32 s1, $0x1;
	[sflag:s31] =	ssyncset.done $0x0  }
.Ltmp1:
0xb7: {  	[sflag:s31] =	ssyncadd.s32 $0xFFFFE500;
	(pc) =	sbr.rel @p0 .LBB2_1-.Ltmp1, $4  }
0xb8: {  	_ =	swait.ge [sflag:s31], $0x1B00  }
0xb9: {  	[sflag:s31] =	ssyncset.done $0x0  }
0xba: {  	s1 =	sadd.s32 $0xFFFFFFFF, s1;
	s10 =	rddreg [dreg:$0x4];
	[sflag:s31] =	ssyncadd.s32 $0xFFFFE500  }
0xbb: {  	[hbm4b:s10+s2] =	stream.linear.scatter [tilespmem:s6], [sflag:$0x2], $0x1B000, $0x38;
	[tilespmem:$0x1B700] =	vst v63  }
.LBB2_2:
0xbc: {  	_ =	swait.ge [sflag:s3], $0x1B000  }
0xbd: {  	[sflag:s3] =	ssyncset.done $0x0  }
0xbe: {  	[sflag:s3] =	ssyncadd.s32 $0xFFFE5000  }
0xbf: {  	_ =	sfence.sel $0x180000  }
0xc0: {  	[bflag:$0x0] =	sbarrier.arrive $0xFFFF  }
0xc1: {  	_ =	strace $0x90000047  }
0xc2: {  	s0 =	stileid.u32;
	[bflag:$0x2] =	sbarrier.arrive $0xFFFF  }
0xc3: {  	p0 =	sne.s32 s0, $0x0;
	s0 =	rddreg [dreg:$0x2]  }
0xc4: {  	s0 =	sadd.s32 @!p0 $0x100000, s0  }
0xc5: {  	[sflag:s0] =	ssyncadd.tile.s32 @!p0 $0x1;
	_ =	shalt  }
.Lfunc_end2:
_tile_overlayer_lowered:
.L_overlay_start_2:
0xc6: {  	(tag) =	ssettag $0x2  }
0xc7: {  	s0 =	rddreg [dreg:$0x0];
	s2 =	stileid.u32  }
0xc8: {  	s1 =	rddreg [dreg:$0x1];
	p0 =	sne.s32 s2, $0x0  }
0xc9: {  	s3 =	rddreg [dreg:$0x2];
	[bflag:$0x3] =	sbarrier.arrive $0xFFFF;
	s2 =	simm.s32 @!p0 $0x1C02  }
0xca: {  	[timem:s3], [sflag:s2] =	dma.local @!p0 [hbm:s0], s1  }
0xcb: {  	s0 =	simm.s32 @!p0 $0x2  }
0xcc: {  	_ =	swait.ge @!p0 [sflag:s0], s1  }
0xcd: {  	s1 =	ssub.s32 @!p0 $0x0, s1;
	[sflag:s0] =	ssyncset.done @!p0 $0x0  }
0xce: {  	[sflag:s0] =	ssyncadd.s32 @!p0 s1  }
0xcf: {  	[bflag:$0x3] =	sbarrier.arrive $0xFFFF  }
0xd0: {  	_ =	shalt  }

</sc_bundles>
